<compile_context>
chip_gen: v7x
topology: tpu7x:2x2x1
jax: 0.10.2.dev20260603
libtpu: 0.0.44.dev20260713+nightly
codegen_flags: <defaults>
</compile_context>

<pallas_src>
import functools
import numpy as np
import jax
import jax.numpy as jnp
from jax import lax
from jax.experimental import pallas as pl
from jax.experimental.pallas import tpu as pltpu
from jax.experimental.pallas import tpu_sc as plsc

HEADS = 8
DIM = 16
NN = 10000
EE = 320000
EPAD = 330240
NW = 32
EPW = EPAD // NW
CH = 80
NCH = EPW // CH
ROW = 144
ACC_ROWS = 10240

_PERM = np.zeros(128, dtype=np.int32)
for _j in range(8):
    for _l in range(16):
        _PERM[16 * _j + _l] = (_l % 8) * 16 + 2 * _j + (_l // 8)

_MEAN = np.zeros((128, 16), dtype=np.float32)
for _i in range(128):
    _MEAN[_i, _PERM[_i] % 16] = 1.0 / 8.0


def _mm_body(x_ref, w_ref, o_ref):
    o_ref[...] = jnp.dot(x_ref[...], w_ref[...], preferred_element_type=jnp.float32)


def _tc_matmul(x, W):
    n, k = x.shape
    m = W.shape[1]
    B = 1000
    return pl.pallas_call(
        _mm_body,
        grid=(n // B,),
        in_specs=[
            pl.BlockSpec((B, k), lambda i: (i, 0)),
            pl.BlockSpec((k, m), lambda i: (0, 0)),
        ],
        out_specs=pl.BlockSpec((B, m), lambda i: (i, 0)),
        out_shape=jax.ShapeDtypeStruct((n, m), jnp.float32),
    )(x, W)


def _combine(acc_ref):
    s = acc_ref[0] + acc_ref[1]
    num = s[:, :128]
    den = s[:, 128:144]
    denb = jnp.concatenate([den] * 8, axis=1)
    return num / (denb + 1e-16)


def _layer2_body(acc_ref, b_ref, w_ref, o_ref):
    h = _combine(acc_ref) + b_ref[...]
    h = jnp.where(h > 0, h, jnp.exp(h) - 1.0)
    o_ref[...] = jnp.dot(h, w_ref[...], preferred_element_type=jnp.float32)


def _tc_layer2(acc, b1p, Wbig2):
    B = 1000
    return pl.pallas_call(
        _layer2_body,
        grid=(NN // B,),
        in_specs=[
            pl.BlockSpec((2, B, ROW), lambda i: (0, i, 0)),
            pl.BlockSpec((1, 128), lambda i: (0, 0)),
            pl.BlockSpec((128, ROW), lambda i: (0, 0)),
        ],
        out_specs=pl.BlockSpec((B, ROW), lambda i: (i, 0)),
        out_shape=jax.ShapeDtypeStruct((NN, ROW), jnp.float32),
    )(acc, b1p, Wbig2)


def _final_body(acc_ref, m_ref, b_ref, o_ref):
    a = _combine(acc_ref)
    o_ref[...] = jnp.dot(a, m_ref[...], preferred_element_type=jnp.float32) + b_ref[...]


def _tc_final(acc, M, b2):
    B = 1000
    return pl.pallas_call(
        _final_body,
        grid=(NN // B,),
        in_specs=[
            pl.BlockSpec((2, B, ROW), lambda i: (0, i, 0)),
            pl.BlockSpec((128, 16), lambda i: (0, 0)),
            pl.BlockSpec((1, 16), lambda i: (0, 0)),
        ],
        out_specs=pl.BlockSpec((B, 16), lambda i: (i, 0)),
        out_shape=jax.ShapeDtypeStruct((NN, 16), jnp.float32),
    )(acc, M, b2)


def _edge_body(hpack_hbm, src_hbm, dst_hbm, zeros_hbm, out_hbm,
               srcv, dstv, Sv, Dv, Ov, accsh, sem1, sem2):
    c = lax.axis_index("c")
    s = lax.axis_index("s")
    wid = s * 2 + c

    zslc = ACC_ROWS // 16
    pltpu.sync_copy(zeros_hbm.at[pl.ds(s * zslc, zslc)],
                    accsh.at[pl.ds(s * zslc, zslc)])
    plsc.subcore_barrier()

    lanes = lax.iota(jnp.int32, 16)
    ridx = lanes ^ 8
    mlow = lanes < 8
    base_w = wid * EPW

    def chunk_body(ci, carry):
        base = base_w + ci * CH
        pltpu.sync_copy(src_hbm.at[pl.ds(base, CH)], srcv)
        pltpu.sync_copy(dst_hbm.at[pl.ds(base, CH)], dstv)

        def remap(j, carry2):
            sv = srcv[pl.ds(j * 16, 16)]
            dv = dstv[pl.ds(j * 16, 16)]
            ids = base + j * 16 + lanes
            m = (sv == dv) & (ids < EE)
            srcv[pl.ds(j * 16, 16)] = jnp.where(m, NN, sv)
            return carry2

        lax.fori_loop(0, CH // 16, remap, 0)

        cp1 = pltpu.async_copy(hpack_hbm.at[srcv], Sv, sem1)
        cp2 = pltpu.async_copy(hpack_hbm.at[dstv], Dv, sem2)
        cp1.wait()
        cp2.wait()

        def ebody(e, carry2):
            sj = [Sv[e, pl.ds(16 * j, 16)] for j in range(8)]
            dj = [Dv[e, pl.ds(16 * j, 16)] for j in range(8)]
            t = sj[0] * dj[0]
            for j in range(1, 8):
                t = t + sj[j] * dj[j]
            logits = t + t.at[ridx].get(mode="promise_in_bounds")
            s8 = Sv[e, pl.ds(128, 16)]
            d8 = Dv[e, pl.ds(128, 16)]
            b = jnp.where(mlow, s8, d8)
            basef = b + b.at[ridx].get(mode="promise_in_bounds")
            sig = 1.0 / (1.0 + jnp.exp(-logits))
            alpha = basef * sig
            alpha = jnp.where(alpha >= 0, alpha, 0.2 * alpha)
            ex = jnp.exp(alpha)
            for j in range(8):
                Ov[e, pl.ds(16 * j, 16)] = sj[j] * ex
            Ov[e, pl.ds(128, 16)] = ex
            return carry2

        lax.fori_loop(0, CH, ebody, 0)

        pltpu.sync_copy(Ov, accsh.at[dstv], add=True)
        return carry

    lax.fori_loop(0, NCH, chunk_body, 0)
    plsc.subcore_barrier()

    oslc = ACC_ROWS // 16
    pltpu.sync_copy(accsh.at[pl.ds(s * oslc, oslc)],
                    out_hbm.at[c, pl.ds(s * oslc, oslc)])


_edge_pass = functools.partial(
    pl.kernel,
    out_type=jax.ShapeDtypeStruct((2, ACC_ROWS, ROW), jnp.float32),
    mesh=plsc.VectorSubcoreMesh(core_axis_name="c", subcore_axis_name="s"),
    compiler_params=pltpu.CompilerParams(use_tc_tiling_on_sc=False),
    scratch_types=[
        pltpu.VMEM((CH,), jnp.int32),
        pltpu.VMEM((CH,), jnp.int32),
        pltpu.VMEM((CH, ROW), jnp.float32),
        pltpu.VMEM((CH, ROW), jnp.float32),
        pltpu.VMEM((CH, ROW), jnp.float32),
        pltpu.VMEM_SHARED((ACC_ROWS, ROW), jnp.float32),
        pltpu.SemaphoreType.DMA,
        pltpu.SemaphoreType.DMA,
    ],
)(_edge_body)


def _prep_weights(W, att_l, att_r, permute_rows):
    Al = (W.reshape(-1, HEADS, DIM) * att_l[0][None]).sum(-1)
    Ar = (W.reshape(-1, HEADS, DIM) * att_r[0][None]).sum(-1)
    Wbig = jnp.concatenate([W[:, _PERM], Al, Ar], axis=1)
    if permute_rows:
        Wbig = Wbig[_PERM, :]
    return Wbig


def kernel(x, edge_index, W1, att_l1, att_r1, b1, W2, att_l2, att_r2, b2):
    src, dst = edge_index[0], edge_index[1]
    loop = jnp.arange(NN, dtype=src.dtype)
    npad = EPAD - EE - NN
    padv = jnp.full((npad,), NN, src.dtype)
    src2 = jnp.concatenate([src, loop, padv])
    dst2 = jnp.concatenate([dst, loop, padv])

    Wbig1 = _prep_weights(W1, att_l1, att_r1, permute_rows=False)
    Wbig2 = _prep_weights(W2, att_l2, att_r2, permute_rows=True)
    b1p = b1[_PERM][None]
    dummy = jnp.concatenate(
        [jnp.zeros(128), jnp.full((8,), -1e30), jnp.zeros(8)]
    ).astype(jnp.float32)[None]
    zeros = jnp.zeros((ACC_ROWS, ROW), jnp.float32)
    M = jnp.asarray(_MEAN)

    Hp1 = jnp.concatenate([_tc_matmul(x, Wbig1), dummy], axis=0)
    acc1 = _edge_pass(Hp1, src2, dst2, zeros)[:, :NN, :]
    Hp2 = jnp.concatenate([_tc_layer2(acc1, b1p, Wbig2), dummy], axis=0)
    acc2 = _edge_pass(Hp2, src2, dst2, zeros)[:, :NN, :]
    return _tc_final(acc2, M, b2[None])

# --- scband reference (transcript-rebuilt; emitter-appended) ---
"""Pipeline reference for scband-super-gat-84086869721208 (READ-ONLY COPY).

The authoritative reference and input builder live on the scoring server;
editing this copy changes nothing except your own understanding.
"""

import jax, jax.numpy as jnp
import numpy as np

HEADS = 8
DIM = 16
NEG_SLOPE = 0.2


def _add_self_loops(edge_index, N):
    src, dst = edge_index[0], edge_index[1]
    valid = src != dst
    loop = jnp.arange(N, dtype=src.dtype)
    src = jnp.concatenate([src, loop])
    dst = jnp.concatenate([dst, loop])
    valid = jnp.concatenate([valid, jnp.ones((N,), dtype=bool)])
    return src, dst, valid


def _supergat_conv(x, src, dst, valid, N, W, att_l, att_r, bias, concat):
    # linear projection -> [N, H, C]
    h = (x @ W).reshape(N, HEADS, DIM)
    x_j = h[src]  # source/messages, [E, H, C]
    x_i = h[dst]  # target, [E, H, C]
    # MX attention: dot-product gate * GO-style additive logits
    logits = (x_i * x_j).sum(-1)  # [E, H]
    alpha = (x_j * att_l).sum(-1) + (x_i * att_r).sum(-1)
    alpha = alpha * jax.nn.sigmoid(logits)
    alpha = jax.nn.leaky_relu(alpha, NEG_SLOPE)
    alpha = jnp.where(valid[:, None], alpha, -jnp.inf)
    # softmax over incoming edges of each dst node
    amax = jax.ops.segment_max(alpha, dst, num_segments=N)
    amax = jnp.where(jnp.isfinite(amax), amax, 0.0)
    ex = jnp.exp(alpha - amax[dst])
    denom = jax.ops.segment_sum(ex, dst, num_segments=N)
    a = ex / (denom[dst] + 1e-16)
    out = jax.ops.segment_sum(x_j * a[..., None], dst, num_segments=N)
    if concat:
        out = out.reshape(N, HEADS * DIM)
    else:
        out = out.mean(axis=1)
    return out + bias


def setup_inputs(seed: int = 0) -> dict:
    key = jax.random.key(seed)
    ks = jax.random.split(key, 10)
    N, E, F = 10000, 320000, 128
    x = jax.random.normal(ks[0], (N, F), dtype=jnp.float32)
    edge_index = jax.random.randint(ks[1], (2, E), 0, N, dtype=jnp.int32)
    W1 = jax.random.normal(ks[2], (F, HEADS * DIM), dtype=jnp.float32) * (1.0 / np.sqrt(F))
    att_l1 = jax.random.normal(ks[3], (1, HEADS, DIM), dtype=jnp.float32) * 0.1
    att_r1 = jax.random.normal(ks[4], (1, HEADS, DIM), dtype=jnp.float32) * 0.1
    b1 = jnp.zeros((HEADS * DIM,), dtype=jnp.float32)
    W2 = jax.random.normal(ks[5], (HEADS * DIM, HEADS * DIM), dtype=jnp.float32) * (1.0 / np.sqrt(HEADS * DIM))
    att_l2 = jax.random.normal(ks[6], (1, HEADS, DIM), dtype=jnp.float32) * 0.1
    att_r2 = jax.random.normal(ks[7], (1, HEADS, DIM), dtype=jnp.float32) * 0.1
    b2 = jnp.zeros((DIM,), dtype=jnp.float32)
    return {"x": x, "edge_index": edge_index, "W1": W1, "att_l1": att_l1, "att_r1": att_r1, "b1": b1, "W2": W2, "att_l2": att_l2, "att_r2": att_r2, "b2": b2}


def reference(x, edge_index, W1, att_l1, att_r1, b1, W2, att_l2, att_r2, b2):
    # eval-mode forward: dropout is identity, attention (self-supervision) loss is 0
    N = x.shape[0]
    src, dst, valid = _add_self_loops(edge_index, N)
    h = jax.nn.elu(_supergat_conv(x, src, dst, valid, N, W1, att_l1, att_r1, b1, True))
    out = _supergat_conv(h, src, dst, valid, N, W2, att_l2, att_r2, b2, False)
    return out

if __name__ == "__main__":
    import jax
    _d = setup_inputs()
    print(jax.jit(kernel)(*tuple(_d.values())))

</pallas_src>

<mosaic_0001>
#map = affine_map<(d0, d1) -> (0, 0)>
#map1 = affine_map<(d0, d1) -> (0)>
#map2 = affine_map<(d0, d1) -> (0, 0, 0)>
module attributes {stable_mosaic.version = 14 : i64} {
  func.func @_edge_body(%arg0: i32, %arg1: i32, %arg2: memref<10001x144xf32, #tpu.memory_space<hbm>>, %arg3: memref<330240xi32, #tpu.memory_space<hbm>>, %arg4: memref<330240xi32, #tpu.memory_space<hbm>>, %arg5: memref<10240x144xf32, #tpu.memory_space<hbm>>, %arg6: memref<2x10240x144xf32, #tpu.memory_space<hbm>>, %arg7: memref<80xi32, #tpu.memory_space<vmem>>, %arg8: memref<80xi32, #tpu.memory_space<vmem>>, %arg9: memref<80x144xf32, #tpu.memory_space<vmem>>, %arg10: memref<80x144xf32, #tpu.memory_space<vmem>>, %arg11: memref<80x144xf32, #tpu.memory_space<vmem>>, %arg12: memref<10240x144xf32, #tpu.memory_space<vmem_shared>>, %arg13: memref<!tpu.dma_semaphore, #tpu.memory_space<semaphore_mem>>, %arg14: memref<!tpu.dma_semaphore, #tpu.memory_space<semaphore_mem>>) attributes {dimension_semantics = [#tpu.dimension_semantics<core_parallel>, #tpu.dimension_semantics<subcore_parallel>], iteration_bounds = array<i64: 2, 16>, scalar_prefetch = 0 : i64, scratch_operands = 8 : i64, tpu.core_type = #tpu.core_type<sc_vector_subcore>, window_params = [{transform_indices = #map}, {transform_indices = #map1}, {transform_indices = #map1}, {transform_indices = #map}, {transform_indices = #map2}]} {
    %mul3A = arith.constant 2 : i32
    %mul3A_0 = arith.muli %arg1, %mul3A : i32
    %add3A = arith.addi %mul3A_0, %arg0 : i32
    %mul3A_1 = arith.constant 640 : i32
    %mul3A_2 = arith.muli %arg1, %mul3A_1 : i32
    %mul3A_3 = arith.constant 640 : i32
    %mul3A_4 = arith.muli %arg1, %mul3A_3 : i32
    "tpu.region"() ({
      %run_scoped3A = tpu.sem_alloc : memref<!tpu.dma_semaphore, #tpu.memory_space<semaphore_mem>>
      %dma_start3A = arith.constant 0 : i32
      %dma_start3A_21 = tpu.memref_slice %arg12[%mul3A_4, %dma_start3A] : memref<10240x144xf32, #tpu.memory_space<vmem_shared>> -> memref<640x144xf32, #tpu.memory_space<vmem_shared>>
      %dma_start3A_22 = arith.constant 0 : i32
      %dma_start3A_23 = tpu.memref_slice %arg5[%mul3A_2, %dma_start3A_22] : memref<10240x144xf32, #tpu.memory_space<hbm>> -> memref<640x144xf32, #tpu.memory_space<hbm>>
      tpu.enqueue_dma source(%dma_start3A_23 : memref<640x144xf32, #tpu.memory_space<hbm>>) target(%dma_start3A_21 : memref<640x144xf32, #tpu.memory_space<vmem_shared>>) target_semaphore(%run_scoped3A : memref<!tpu.dma_semaphore, #tpu.memory_space<semaphore_mem>>)
      %dma_wait3A = arith.constant 0 : i32
      %dma_wait3A_24 = tpu.memref_slice %arg12[%mul3A_4, %dma_wait3A] : memref<10240x144xf32, #tpu.memory_space<vmem_shared>> -> memref<640x144xf32, #tpu.memory_space<vmem_shared>>
      %dma_wait3A_25 = arith.constant 0 : i32
      %dma_wait3A_26 = tpu.memref_slice %arg5[%mul3A_2, %dma_wait3A_25] : memref<10240x144xf32, #tpu.memory_space<hbm>> -> memref<640x144xf32, #tpu.memory_space<hbm>>
      tpu.wait_dma2 semaphore(%run_scoped3A : memref<!tpu.dma_semaphore, #tpu.memory_space<semaphore_mem>>) src(%dma_wait3A_26 : memref<640x144xf32, #tpu.memory_space<hbm>>) dst(%dma_wait3A_24 : memref<640x144xf32, #tpu.memory_space<vmem_shared>>)
      tpu.yield
    }) : () -> ()
    %barrier3A = arith.constant 0 : index
    tpu.barrier barrier_id(%barrier3A)
    %iota3A = tpu.iota {dimensions = array<i32: 0>} : vector<16xi32>
    %xor3A = arith.constant 8 : i32
    %xor3A_5 = vector.broadcast %xor3A : i32 to vector<16xi32>
    %xor3A_6 = arith.xori %iota3A, %xor3A_5 : vector<16xi32>
    %lt3A = arith.constant 8 : i32
    %lt3A_7 = vector.broadcast %lt3A : i32 to vector<16xi32>
    %lt3A_8 = arith.cmpi slt, %iota3A, %lt3A_7 : vector<16xi32>
    %mul3A_9 = arith.constant 10320 : i32
    %mul3A_10 = arith.muli %add3A, %mul3A_9 : i32
    %scan3A = arith.constant 0 : i32
    %scan3A_11 = arith.constant 0 : i32
    %scan3A_12 = arith.constant 129 : i32
    %scan3A_13 = arith.addi %scan3A_11, %scan3A_12 : i32
    %scan3A_14 = arith.constant 1 : i32
    scf.for %scan3A_21 = %scan3A_11 to %scan3A_13 step %scan3A_14  : i32 {
      %mul3A_22 = arith.constant 80 : i32
      %mul3A_23 = arith.muli %scan3A_21, %mul3A_22 : i32
      %add3A_24 = arith.addi %mul3A_10, %mul3A_23 : i32
      "tpu.region"() ({
        %run_scoped3A = tpu.sem_alloc : memref<!tpu.dma_semaphore, #tpu.memory_space<semaphore_mem>>
        %dma_start3A_47 = tpu.memref_slice %arg3[%add3A_24] : memref<330240xi32, #tpu.memory_space<hbm>> -> memref<80xi32, #tpu.memory_space<hbm>>
        %dma_start3A_48 = tpu.memref_slice %arg3[%add3A_24] : memref<330240xi32, #tpu.memory_space<hbm>> -> memref<80xi32, #tpu.memory_space<hbm>>
        tpu.enqueue_dma source(%dma_start3A_48 : memref<80xi32, #tpu.memory_space<hbm>>) target(%arg7 : memref<80xi32, #tpu.memory_space<vmem>>) target_semaphore(%run_scoped3A : memref<!tpu.dma_semaphore, #tpu.memory_space<semaphore_mem>>)
        %dma_wait3A_49 = tpu.memref_slice %arg3[%add3A_24] : memref<330240xi32, #tpu.memory_space<hbm>> -> memref<80xi32, #tpu.memory_space<hbm>>
        %dma_wait3A_50 = tpu.memref_slice %arg3[%add3A_24] : memref<330240xi32, #tpu.memory_space<hbm>> -> memref<80xi32, #tpu.memory_space<hbm>>
        tpu.wait_dma2 semaphore(%run_scoped3A : memref<!tpu.dma_semaphore, #tpu.memory_space<semaphore_mem>>) src(%dma_wait3A_50 : memref<80xi32, #tpu.memory_space<hbm>>) dst(%arg7 : memref<80xi32, #tpu.memory_space<vmem>>)
        tpu.yield
      }) : () -> ()
      "tpu.region"() ({
        %run_scoped3A = tpu.sem_alloc : memref<!tpu.dma_semaphore, #tpu.memory_space<semaphore_mem>>
        %dma_start3A_47 = tpu.memref_slice %arg4[%add3A_24] : memref<330240xi32, #tpu.memory_space<hbm>> -> memref<80xi32, #tpu.memory_space<hbm>>
        %dma_start3A_48 = tpu.memref_slice %arg4[%add3A_24] : memref<330240xi32, #tpu.memory_space<hbm>> -> memref<80xi32, #tpu.memory_space<hbm>>
        tpu.enqueue_dma source(%dma_start3A_48 : memref<80xi32, #tpu.memory_space<hbm>>) target(%arg8 : memref<80xi32, #tpu.memory_space<vmem>>) target_semaphore(%run_scoped3A : memref<!tpu.dma_semaphore, #tpu.memory_space<semaphore_mem>>)
        %dma_wait3A_49 = tpu.memref_slice %arg4[%add3A_24] : memref<330240xi32, #tpu.memory_space<hbm>> -> memref<80xi32, #tpu.memory_space<hbm>>
        %dma_wait3A_50 = tpu.memref_slice %arg4[%add3A_24] : memref<330240xi32, #tpu.memory_space<hbm>> -> memref<80xi32, #tpu.memory_space<hbm>>
        tpu.wait_dma2 semaphore(%run_scoped3A : memref<!tpu.dma_semaphore, #tpu.memory_space<semaphore_mem>>) src(%dma_wait3A_50 : memref<80xi32, #tpu.memory_space<hbm>>) dst(%arg8 : memref<80xi32, #tpu.memory_space<vmem>>)
        tpu.yield
      }) : () -> ()
      %scan3A_25 = arith.constant 0 : i32
      %scan3A_26 = arith.constant 0 : i32
      %scan3A_27 = arith.constant 5 : i32
      %scan3A_28 = arith.addi %scan3A_26, %scan3A_27 : i32
      %scan3A_29 = arith.constant 1 : i32
      scf.for %scan3A_47 = %scan3A_26 to %scan3A_28 step %scan3A_29  : i32 {
        %mul3A_48 = arith.constant 16 : i32
        %mul3A_49 = arith.muli %scan3A_47, %mul3A_48 : i32
        %get3A = arith.index_cast %mul3A_49 : i32 to index
        %get3A_50 = tpu.vector_load %arg7[%get3A] {strides = array<i32>} : memref<80xi32, #tpu.memory_space<vmem>>, vector<16xi32>,
        %get3A_51 = vector.shape_cast %get3A_50 : vector<16xi32> to vector<16xi32>
        %mul3A_52 = arith.constant 16 : i32
        %mul3A_53 = arith.muli %scan3A_47, %mul3A_52 : i32
        %get3A_54 = arith.index_cast %mul3A_53 : i32 to index
        %get3A_55 = tpu.vector_load %arg8[%get3A_54] {strides = array<i32>} : memref<80xi32, #tpu.memory_space<vmem>>, vector<16xi32>,
        %get3A_56 = vector.shape_cast %get3A_55 : vector<16xi32> to vector<16xi32>
        %mul3A_57 = arith.constant 16 : i32
        %mul3A_58 = arith.muli %scan3A_47, %mul3A_57 : i32
        %add3A_59 = arith.addi %add3A_24, %mul3A_58 : i32
        %add3A_60 = vector.broadcast %add3A_59 : i32 to vector<16xi32>
        %add3A_61 = arith.addi %add3A_60, %iota3A : vector<16xi32>
        %eq3A = arith.cmpi eq, %get3A_51, %get3A_56 : vector<16xi32>
        %lt3A_62 = arith.constant 320000 : i32
        %lt3A_63 = vector.broadcast %lt3A_62 : i32 to vector<16xi32>
        %lt3A_64 = arith.cmpi slt, %add3A_61, %lt3A_63 : vector<16xi32>
        %and3A = arith.andi %eq3A, %lt3A_64 : vector<16xi1>
        %jit3A = arith.constant 10000 : i32
        %broadcast_in_dim3A = vector.broadcast %jit3A : i32 to vector<16xi32>
        %select_n3A = arith.select %and3A, %broadcast_in_dim3A, %get3A_51 : vector<16xi1>, vector<16xi32>
        %mul3A_65 = arith.constant 16 : i32
        %mul3A_66 = arith.muli %scan3A_47, %mul3A_65 : i32
        %swap3A = arith.index_cast %mul3A_66 : i32 to index
        %swap3A_67 = tpu.vector_load %arg7[%swap3A] {strides = array<i32>} : memref<80xi32, #tpu.memory_space<vmem>>, vector<16xi32>,
        %swap3A_68 = vector.shape_cast %swap3A_67 : vector<16xi32> to vector<16xi32>
        %swap3A_69 = vector.shape_cast %select_n3A : vector<16xi32> to vector<16xi32>
        tpu.vector_store %arg7[%swap3A], %swap3A_69 {strides = array<i32>} : memref<80xi32, #tpu.memory_space<vmem>>, vector<16xi32>,
      }
      %scan3A_30 = arith.constant 5 : i32
      %dma_start3A = arith.constant 0 : i32
      %dma_start3A_31 = arith.constant 0 : i32
      %dma_start3A_32 = tpu.memref_slice %arg2[%dma_start3A, %dma_start3A_31] : memref<10001x144xf32, #tpu.memory_space<hbm>> -> memref<10001x144xf32, #tpu.memory_space<hbm>>
      tpu.enqueue_indirect_dma source(%dma_start3A_32 : memref<10001x144xf32, #tpu.memory_space<hbm>>) target(%arg9 : memref<80x144xf32, #tpu.memory_space<vmem>>) offsets(%arg7 : memref<80xi32, #tpu.memory_space<vmem>>) semaphore(%arg13 : memref<!tpu.dma_semaphore, #tpu.memory_space<semaphore_mem>>)
      %dma_start3A_33 = arith.constant 0 : i32
      %dma_start3A_34 = arith.constant 0 : i32
      %dma_start3A_35 = tpu.memref_slice %arg2[%dma_start3A_33, %dma_start3A_34] : memref<10001x144xf32, #tpu.memory_space<hbm>> -> memref<10001x144xf32, #tpu.memory_space<hbm>>
      tpu.enqueue_indirect_dma source(%dma_start3A_35 : memref<10001x144xf32, #tpu.memory_space<hbm>>) target(%arg10 : memref<80x144xf32, #tpu.memory_space<vmem>>) offsets(%arg8 : memref<80xi32, #tpu.memory_space<vmem>>) semaphore(%arg14 : memref<!tpu.dma_semaphore, #tpu.memory_space<semaphore_mem>>)
      %dma_wait3A = arith.constant 0 : i32
      %dma_wait3A_36 = arith.constant 0 : i32
      %dma_wait3A_37 = tpu.memref_slice %arg2[%dma_wait3A, %dma_wait3A_36] : memref<10001x144xf32, #tpu.memory_space<hbm>> -> memref<10001x144xf32, #tpu.memory_space<hbm>>
      tpu.wait_indirect_dma semaphore(%arg13 : memref<!tpu.dma_semaphore, #tpu.memory_space<semaphore_mem>>) src(%dma_wait3A_37 : memref<10001x144xf32, #tpu.memory_space<hbm>>) dst(%arg9 : memref<80x144xf32, #tpu.memory_space<vmem>>)
      %dma_wait3A_38 = arith.constant 0 : i32
      %dma_wait3A_39 = arith.constant 0 : i32
      %dma_wait3A_40 = tpu.memref_slice %arg2[%dma_wait3A_38, %dma_wait3A_39] : memref<10001x144xf32, #tpu.memory_space<hbm>> -> memref<10001x144xf32, #tpu.memory_space<hbm>>
      tpu.wait_indirect_dma semaphore(%arg14 : memref<!tpu.dma_semaphore, #tpu.memory_space<semaphore_mem>>) src(%dma_wait3A_40 : memref<10001x144xf32, #tpu.memory_space<hbm>>) dst(%arg10 : memref<80x144xf32, #tpu.memory_space<vmem>>)
      %scan3A_41 = arith.constant 0 : i32
      %scan3A_42 = arith.constant 0 : i32
      %scan3A_43 = arith.constant 80 : i32
      %scan3A_44 = arith.addi %scan3A_42, %scan3A_43 : i32
      %scan3A_45 = arith.constant 1 : i32
      scf.for %scan3A_47 = %scan3A_42 to %scan3A_44 step %scan3A_45  : i32 {
        %get3A = arith.index_cast %scan3A_47 : i32 to index
        %get3A_48 = arith.constant 0 : index
        %get3A_49 = tpu.vector_load %arg9[%get3A, %get3A_48] {strides = array<i32>} : memref<80x144xf32, #tpu.memory_space<vmem>>, vector<1x16xf32>,
        %get3A_50 = vector.shape_cast %get3A_49 : vector<1x16xf32> to vector<16xf32>
        %get3A_51 = arith.index_cast %scan3A_47 : i32 to index
        %get3A_52 = arith.constant 16 : index
        %get3A_53 = tpu.vector_load %arg9[%get3A_51, %get3A_52] {strides = array<i32>} : memref<80x144xf32, #tpu.memory_space<vmem>>, vector<1x16xf32>,
        %get3A_54 = vector.shape_cast %get3A_53 : vector<1x16xf32> to vector<16xf32>
        %get3A_55 = arith.index_cast %scan3A_47 : i32 to index
        %get3A_56 = arith.constant 32 : index
        %get3A_57 = tpu.vector_load %arg9[%get3A_55, %get3A_56] {strides = array<i32>} : memref<80x144xf32, #tpu.memory_space<vmem>>, vector<1x16xf32>,
        %get3A_58 = vector.shape_cast %get3A_57 : vector<1x16xf32> to vector<16xf32>
        %get3A_59 = arith.index_cast %scan3A_47 : i32 to index
        %get3A_60 = arith.constant 48 : index
        %get3A_61 = tpu.vector_load %arg9[%get3A_59, %get3A_60] {strides = array<i32>} : memref<80x144xf32, #tpu.memory_space<vmem>>, vector<1x16xf32>,
        %get3A_62 = vector.shape_cast %get3A_61 : vector<1x16xf32> to vector<16xf32>
        %get3A_63 = arith.index_cast %scan3A_47 : i32 to index
        %get3A_64 = arith.constant 64 : index
        %get3A_65 = tpu.vector_load %arg9[%get3A_63, %get3A_64] {strides = array<i32>} : memref<80x144xf32, #tpu.memory_space<vmem>>, vector<1x16xf32>,
        %get3A_66 = vector.shape_cast %get3A_65 : vector<1x16xf32> to vector<16xf32>
        %get3A_67 = arith.index_cast %scan3A_47 : i32 to index
        %get3A_68 = arith.constant 80 : index
        %get3A_69 = tpu.vector_load %arg9[%get3A_67, %get3A_68] {strides = array<i32>} : memref<80x144xf32, #tpu.memory_space<vmem>>, vector<1x16xf32>,
        %get3A_70 = vector.shape_cast %get3A_69 : vector<1x16xf32> to vector<16xf32>
        %get3A_71 = arith.index_cast %scan3A_47 : i32 to index
        %get3A_72 = arith.constant 96 : index
        %get3A_73 = tpu.vector_load %arg9[%get3A_71, %get3A_72] {strides = array<i32>} : memref<80x144xf32, #tpu.memory_space<vmem>>, vector<1x16xf32>,
        %get3A_74 = vector.shape_cast %get3A_73 : vector<1x16xf32> to vector<16xf32>
        %get3A_75 = arith.index_cast %scan3A_47 : i32 to index
        %get3A_76 = arith.constant 112 : index
        %get3A_77 = tpu.vector_load %arg9[%get3A_75, %get3A_76] {strides = array<i32>} : memref<80x144xf32, #tpu.memory_space<vmem>>, vector<1x16xf32>,
        %get3A_78 = vector.shape_cast %get3A_77 : vector<1x16xf32> to vector<16xf32>
        %get3A_79 = arith.index_cast %scan3A_47 : i32 to index
        %get3A_80 = arith.constant 0 : index
        %get3A_81 = tpu.vector_load %arg10[%get3A_79, %get3A_80] {strides = array<i32>} : memref<80x144xf32, #tpu.memory_space<vmem>>, vector<1x16xf32>,
        %get3A_82 = vector.shape_cast %get3A_81 : vector<1x16xf32> to vector<16xf32>
        %get3A_83 = arith.index_cast %scan3A_47 : i32 to index
        %get3A_84 = arith.constant 16 : index
        %get3A_85 = tpu.vector_load %arg10[%get3A_83, %get3A_84] {strides = array<i32>} : memref<80x144xf32, #tpu.memory_space<vmem>>, vector<1x16xf32>,
        %get3A_86 = vector.shape_cast %get3A_85 : vector<1x16xf32> to vector<16xf32>
        %get3A_87 = arith.index_cast %scan3A_47 : i32 to index
        %get3A_88 = arith.constant 32 : index
        %get3A_89 = tpu.vector_load %arg10[%get3A_87, %get3A_88] {strides = array<i32>} : memref<80x144xf32, #tpu.memory_space<vmem>>, vector<1x16xf32>,
        %get3A_90 = vector.shape_cast %get3A_89 : vector<1x16xf32> to vector<16xf32>
        %get3A_91 = arith.index_cast %scan3A_47 : i32 to index
        %get3A_92 = arith.constant 48 : index
        %get3A_93 = tpu.vector_load %arg10[%get3A_91, %get3A_92] {strides = array<i32>} : memref<80x144xf32, #tpu.memory_space<vmem>>, vector<1x16xf32>,
        %get3A_94 = vector.shape_cast %get3A_93 : vector<1x16xf32> to vector<16xf32>
        %get3A_95 = arith.index_cast %scan3A_47 : i32 to index
        %get3A_96 = arith.constant 64 : index
        %get3A_97 = tpu.vector_load %arg10[%get3A_95, %get3A_96] {strides = array<i32>} : memref<80x144xf32, #tpu.memory_space<vmem>>, vector<1x16xf32>,
        %get3A_98 = vector.shape_cast %get3A_97 : vector<1x16xf32> to vector<16xf32>
        %get3A_99 = arith.index_cast %scan3A_47 : i32 to index
        %get3A_100 = arith.constant 80 : index
        %get3A_101 = tpu.vector_load %arg10[%get3A_99, %get3A_100] {strides = array<i32>} : memref<80x144xf32, #tpu.memory_space<vmem>>, vector<1x16xf32>,
        %get3A_102 = vector.shape_cast %get3A_101 : vector<1x16xf32> to vector<16xf32>
        %get3A_103 = arith.index_cast %scan3A_47 : i32 to index
        %get3A_104 = arith.constant 96 : index
        %get3A_105 = tpu.vector_load %arg10[%get3A_103, %get3A_104] {strides = array<i32>} : memref<80x144xf32, #tpu.memory_space<vmem>>, vector<1x16xf32>,
        %get3A_106 = vector.shape_cast %get3A_105 : vector<1x16xf32> to vector<16xf32>
        %get3A_107 = arith.index_cast %scan3A_47 : i32 to index
        %get3A_108 = arith.constant 112 : index
        %get3A_109 = tpu.vector_load %arg10[%get3A_107, %get3A_108] {strides = array<i32>} : memref<80x144xf32, #tpu.memory_space<vmem>>, vector<1x16xf32>,
        %get3A_110 = vector.shape_cast %get3A_109 : vector<1x16xf32> to vector<16xf32>
        %mul3A_111 = arith.mulf %get3A_50, %get3A_82 : vector<16xf32>
        %mul3A_112 = arith.mulf %get3A_54, %get3A_86 : vector<16xf32>
        %add3A_113 = arith.addf %mul3A_111, %mul3A_112 : vector<16xf32>
        %mul3A_114 = arith.mulf %get3A_58, %get3A_90 : vector<16xf32>
        %add3A_115 = arith.addf %add3A_113, %mul3A_114 : vector<16xf32>
        %mul3A_116 = arith.mulf %get3A_62, %get3A_94 : vector<16xf32>
        %add3A_117 = arith.addf %add3A_115, %mul3A_116 : vector<16xf32>
        %mul3A_118 = arith.mulf %get3A_66, %get3A_98 : vector<16xf32>
        %add3A_119 = arith.addf %add3A_117, %mul3A_118 : vector<16xf32>
        %mul3A_120 = arith.mulf %get3A_70, %get3A_102 : vector<16xf32>
        %add3A_121 = arith.addf %add3A_119, %mul3A_120 : vector<16xf32>
        %mul3A_122 = arith.mulf %get3A_74, %get3A_106 : vector<16xf32>
        %add3A_123 = arith.addf %add3A_121, %mul3A_122 : vector<16xf32>
        %mul3A_124 = arith.mulf %get3A_78, %get3A_110 : vector<16xf32>
        %add3A_125 = arith.addf %add3A_123, %mul3A_124 : vector<16xf32>
        %lt3A_126 = arith.constant 0 : i32
        %lt3A_127 = vector.broadcast %lt3A_126 : i32 to vector<16xi32>
        %lt3A_128 = arith.cmpi slt, %xor3A_6, %lt3A_127 : vector<16xi32>
        %add3A_129 = arith.constant 16 : i32
        %add3A_130 = vector.broadcast %add3A_129 : i32 to vector<16xi32>
        %add3A_131 = arith.addi %xor3A_6, %add3A_130 : vector<16xi32>
        %select_n3A = arith.select %lt3A_128, %add3A_131, %xor3A_6 : vector<16xi1>, vector<16xi32>
        %broadcast_in_dim3A = vector.shape_cast %select_n3A : vector<16xi32> to vector<16x1xi32>
        %gather3A = vector.shape_cast %broadcast_in_dim3A : vector<16x1xi32> to vector<16xi32>
        %gather3A_132 = tpu.dynamic_gather %add3A_125[%gather3A] in [0] : vector<16xf32>, vector<16xi32> -> vector<16xf32>
        %add3A_133 = arith.addf %add3A_125, %gather3A_132 : vector<16xf32>
        %get3A_134 = arith.index_cast %scan3A_47 : i32 to index
        %get3A_135 = arith.constant 128 : index
        %get3A_136 = tpu.vector_load %arg9[%get3A_134, %get3A_135] {strides = array<i32>} : memref<80x144xf32, #tpu.memory_space<vmem>>, vector<1x16xf32>,
        %get3A_137 = vector.shape_cast %get3A_136 : vector<1x16xf32> to vector<16xf32>
        %get3A_138 = arith.index_cast %scan3A_47 : i32 to index
        %get3A_139 = arith.constant 128 : index
        %get3A_140 = tpu.vector_load %arg10[%get3A_138, %get3A_139] {strides = array<i32>} : memref<80x144xf32, #tpu.memory_space<vmem>>, vector<1x16xf32>,
        %get3A_141 = vector.shape_cast %get3A_140 : vector<1x16xf32> to vector<16xf32>
        %select_n3A_142 = arith.select %lt3A_8, %get3A_137, %get3A_141 : vector<16xi1>, vector<16xf32>
        %lt3A_143 = arith.constant 0 : i32
        %lt3A_144 = vector.broadcast %lt3A_143 : i32 to vector<16xi32>
        %lt3A_145 = arith.cmpi slt, %xor3A_6, %lt3A_144 : vector<16xi32>
        %add3A_146 = arith.constant 16 : i32
        %add3A_147 = vector.broadcast %add3A_146 : i32 to vector<16xi32>
        %add3A_148 = arith.addi %xor3A_6, %add3A_147 : vector<16xi32>
        %select_n3A_149 = arith.select %lt3A_145, %add3A_148, %xor3A_6 : vector<16xi1>, vector<16xi32>
        %broadcast_in_dim3A_150 = vector.shape_cast %select_n3A_149 : vector<16xi32> to vector<16x1xi32>
        %gather3A_151 = vector.shape_cast %broadcast_in_dim3A_150 : vector<16x1xi32> to vector<16xi32>
        %gather3A_152 = tpu.dynamic_gather %select_n3A_142[%gather3A_151] in [0] : vector<16xf32>, vector<16xi32> -> vector<16xf32>
        %add3A_153 = arith.addf %select_n3A_142, %gather3A_152 : vector<16xf32>
        %neg3A = arith.constant 0.000000e+00 : f32
        %neg3A_154 = vector.broadcast %neg3A : f32 to vector<16xf32>
        %neg3A_155 = arith.subf %neg3A_154, %add3A_133 : vector<16xf32>
        %exp3A = math.exp %neg3A_155 : vector<16xf32>
        %add3A_156 = arith.constant 1.000000e+00 : f32
        %add3A_157 = vector.broadcast %add3A_156 : f32 to vector<16xf32>
        %add3A_158 = arith.addf %add3A_157, %exp3A : vector<16xf32>
        %div3A = arith.constant 1.000000e+00 : f32
        %div3A_159 = vector.broadcast %div3A : f32 to vector<16xf32>
        %div3A_160 = arith.divf %div3A_159, %add3A_158 : vector<16xf32>
        %mul3A_161 = arith.mulf %add3A_153, %div3A_160 : vector<16xf32>
        %ge3A = arith.constant 0.000000e+00 : f32
        %ge3A_162 = vector.broadcast %ge3A : f32 to vector<16xf32>
        %ge3A_163 = arith.cmpf oge, %mul3A_161, %ge3A_162 : vector<16xf32>
        %mul3A_164 = arith.constant 2.000000e-01 : f32
        %mul3A_165 = vector.broadcast %mul3A_164 : f32 to vector<16xf32>
        %mul3A_166 = arith.mulf %mul3A_165, %mul3A_161 : vector<16xf32>
        %select_n3A_167 = arith.select %ge3A_163, %mul3A_161, %mul3A_166 : vector<16xi1>, vector<16xf32>
        %exp3A_168 = math.exp %select_n3A_167 : vector<16xf32>
        %mul3A_169 = arith.mulf %get3A_50, %exp3A_168 : vector<16xf32>
        %swap3A = arith.index_cast %scan3A_47 : i32 to index
        %swap3A_170 = arith.constant 0 : index
        %swap3A_171 = tpu.vector_load %arg11[%swap3A, %swap3A_170] {strides = array<i32>} : memref<80x144xf32, #tpu.memory_space<vmem>>, vector<1x16xf32>,
        %swap3A_172 = vector.shape_cast %swap3A_171 : vector<1x16xf32> to vector<16xf32>
        %swap3A_173 = vector.shape_cast %mul3A_169 : vector<16xf32> to vector<1x16xf32>
        tpu.vector_store %arg11[%swap3A, %swap3A_170], %swap3A_173 {strides = array<i32>} : memref<80x144xf32, #tpu.memory_space<vmem>>, vector<1x16xf32>,
        %mul3A_174 = arith.mulf %get3A_54, %exp3A_168 : vector<16xf32>
        %swap3A_175 = arith.index_cast %scan3A_47 : i32 to index
        %swap3A_176 = arith.constant 16 : index
        %swap3A_177 = tpu.vector_load %arg11[%swap3A_175, %swap3A_176] {strides = array<i32>} : memref<80x144xf32, #tpu.memory_space<vmem>>, vector<1x16xf32>,
        %swap3A_178 = vector.shape_cast %swap3A_177 : vector<1x16xf32> to vector<16xf32>
        %swap3A_179 = vector.shape_cast %mul3A_174 : vector<16xf32> to vector<1x16xf32>
        tpu.vector_store %arg11[%swap3A_175, %swap3A_176], %swap3A_179 {strides = array<i32>} : memref<80x144xf32, #tpu.memory_space<vmem>>, vector<1x16xf32>,
        %mul3A_180 = arith.mulf %get3A_58, %exp3A_168 : vector<16xf32>
        %swap3A_181 = arith.index_cast %scan3A_47 : i32 to index
        %swap3A_182 = arith.constant 32 : index
        %swap3A_183 = tpu.vector_load %arg11[%swap3A_181, %swap3A_182] {strides = array<i32>} : memref<80x144xf32, #tpu.memory_space<vmem>>, vector<1x16xf32>,
        %swap3A_184 = vector.shape_cast %swap3A_183 : vector<1x16xf32> to vector<16xf32>
        %swap3A_185 = vector.shape_cast %mul3A_180 : vector<16xf32> to vector<1x16xf32>
        tpu.vector_store %arg11[%swap3A_181, %swap3A_182], %swap3A_185 {strides = array<i32>} : memref<80x144xf32, #tpu.memory_space<vmem>>, vector<1x16xf32>,
        %mul3A_186 = arith.mulf %get3A_62, %exp3A_168 : vector<16xf32>
        %swap3A_187 = arith.index_cast %scan3A_47 : i32 to index
        %swap3A_188 = arith.constant 48 : index
        %swap3A_189 = tpu.vector_load %arg11[%swap3A_187, %swap3A_188] {strides = array<i32>} : memref<80x144xf32, #tpu.memory_space<vmem>>, vector<1x16xf32>,
        %swap3A_190 = vector.shape_cast %swap3A_189 : vector<1x16xf32> to vector<16xf32>
        %swap3A_191 = vector.shape_cast %mul3A_186 : vector<16xf32> to vector<1x16xf32>
        tpu.vector_store %arg11[%swap3A_187, %swap3A_188], %swap3A_191 {strides = array<i32>} : memref<80x144xf32, #tpu.memory_space<vmem>>, vector<1x16xf32>,
        %mul3A_192 = arith.mulf %get3A_66, %exp3A_168 : vector<16xf32>
        %swap3A_193 = arith.index_cast %scan3A_47 : i32 to index
        %swap3A_194 = arith.constant 64 : index
        %swap3A_195 = tpu.vector_load %arg11[%swap3A_193, %swap3A_194] {strides = array<i32>} : memref<80x144xf32, #tpu.memory_space<vmem>>, vector<1x16xf32>,
        %swap3A_196 = vector.shape_cast %swap3A_195 : vector<1x16xf32> to vector<16xf32>
        %swap3A_197 = vector.shape_cast %mul3A_192 : vector<16xf32> to vector<1x16xf32>
        tpu.vector_store %arg11[%swap3A_193, %swap3A_194], %swap3A_197 {strides = array<i32>} : memref<80x144xf32, #tpu.memory_space<vmem>>, vector<1x16xf32>,
        %mul3A_198 = arith.mulf %get3A_70, %exp3A_168 : vector<16xf32>
        %swap3A_199 = arith.index_cast %scan3A_47 : i32 to index
        %swap3A_200 = arith.constant 80 : index
        %swap3A_201 = tpu.vector_load %arg11[%swap3A_199, %swap3A_200] {strides = array<i32>} : memref<80x144xf32, #tpu.memory_space<vmem>>, vector<1x16xf32>,
        %swap3A_202 = vector.shape_cast %swap3A_201 : vector<1x16xf32> to vector<16xf32>
        %swap3A_203 = vector.shape_cast %mul3A_198 : vector<16xf32> to vector<1x16xf32>
        tpu.vector_store %arg11[%swap3A_199, %swap3A_200], %swap3A_203 {strides = array<i32>} : memref<80x144xf32, #tpu.memory_space<vmem>>, vector<1x16xf32>,
        %mul3A_204 = arith.mulf %get3A_74, %exp3A_168 : vector<16xf32>
        %swap3A_205 = arith.index_cast %scan3A_47 : i32 to index
        %swap3A_206 = arith.constant 96 : index
        %swap3A_207 = tpu.vector_load %arg11[%swap3A_205, %swap3A_206] {strides = array<i32>} : memref<80x144xf32, #tpu.memory_space<vmem>>, vector<1x16xf32>,
        %swap3A_208 = vector.shape_cast %swap3A_207 : vector<1x16xf32> to vector<16xf32>
        %swap3A_209 = vector.shape_cast %mul3A_204 : vector<16xf32> to vector<1x16xf32>
        tpu.vector_store %arg11[%swap3A_205, %swap3A_206], %swap3A_209 {strides = array<i32>} : memref<80x144xf32, #tpu.memory_space<vmem>>, vector<1x16xf32>,
        %mul3A_210 = arith.mulf %get3A_78, %exp3A_168 : vector<16xf32>
        %swap3A_211 = arith.index_cast %scan3A_47 : i32 to index
        %swap3A_212 = arith.constant 112 : index
        %swap3A_213 = tpu.vector_load %arg11[%swap3A_211, %swap3A_212] {strides = array<i32>} : memref<80x144xf32, #tpu.memory_space<vmem>>, vector<1x16xf32>,
        %swap3A_214 = vector.shape_cast %swap3A_213 : vector<1x16xf32> to vector<16xf32>
        %swap3A_215 = vector.shape_cast %mul3A_210 : vector<16xf32> to vector<1x16xf32>
        tpu.vector_store %arg11[%swap3A_211, %swap3A_212], %swap3A_215 {strides = array<i32>} : memref<80x144xf32, #tpu.memory_space<vmem>>, vector<1x16xf32>,
        %swap3A_216 = arith.index_cast %scan3A_47 : i32 to index
        %swap3A_217 = arith.constant 128 : index
        %swap3A_218 = tpu.vector_load %arg11[%swap3A_216, %swap3A_217] {strides = array<i32>} : memref<80x144xf32, #tpu.memory_space<vmem>>, vector<1x16xf32>,
        %swap3A_219 = vector.shape_cast %swap3A_218 : vector<1x16xf32> to vector<16xf32>
        %swap3A_220 = vector.shape_cast %exp3A_168 : vector<16xf32> to vector<1x16xf32>
        tpu.vector_store %arg11[%swap3A_216, %swap3A_217], %swap3A_220 {strides = array<i32>} : memref<80x144xf32, #tpu.memory_space<vmem>>, vector<1x16xf32>,
      }
      %scan3A_46 = arith.constant 80 : i32
      "tpu.region"() ({
        %run_scoped3A = tpu.sem_alloc : memref<!tpu.dma_semaphore, #tpu.memory_space<semaphore_mem>>
        %dma_start3A_47 = arith.constant 0 : i32
        %dma_start3A_48 = arith.constant 0 : i32
        %dma_start3A_49 = tpu.memref_slice %arg12[%dma_start3A_47, %dma_start3A_48] : memref<10240x144xf32, #tpu.memory_space<vmem_shared>> -> memref<10240x144xf32, #tpu.memory_space<vmem_shared>>
        tpu.enqueue_indirect_dma source(%arg11 : memref<80x144xf32, #tpu.memory_space<vmem>>) target(%dma_start3A_49 : memref<10240x144xf32, #tpu.memory_space<vmem_shared>>) offsets(%arg8 : memref<80xi32, #tpu.memory_space<vmem>>) semaphore(%run_scoped3A : memref<!tpu.dma_semaphore, #tpu.memory_space<semaphore_mem>>) {add = true}
        %dma_wait3A_50 = arith.constant 0 : i32
        %dma_wait3A_51 = arith.constant 0 : i32
        %dma_wait3A_52 = tpu.memref_slice %arg12[%dma_wait3A_50, %dma_wait3A_51] : memref<10240x144xf32, #tpu.memory_space<vmem_shared>> -> memref<10240x144xf32, #tpu.memory_space<vmem_shared>>
        tpu.wait_indirect_dma semaphore(%run_scoped3A : memref<!tpu.dma_semaphore, #tpu.memory_space<semaphore_mem>>) src(%arg11 : memref<80x144xf32, #tpu.memory_space<vmem>>) dst(%dma_wait3A_52 : memref<10240x144xf32, #tpu.memory_space<vmem_shared>>)
        tpu.yield
      }) : () -> ()
    }
    %scan3A_15 = arith.constant 129 : i32
    %barrier3A_16 = arith.constant 0 : index
    tpu.barrier barrier_id(%barrier3A_16)
    %mul3A_17 = arith.constant 640 : i32
    %mul3A_18 = arith.muli %arg1, %mul3A_17 : i32
    %mul3A_19 = arith.constant 640 : i32
    %mul3A_20 = arith.muli %arg1, %mul3A_19 : i32
    "tpu.region"() ({
      %run_scoped3A = tpu.sem_alloc : memref<!tpu.dma_semaphore, #tpu.memory_space<semaphore_mem>>
      %dma_start3A = arith.constant 0 : i32
      %dma_start3A_21 = tpu.memref_slice %arg6[%arg0, %mul3A_20, %dma_start3A] : memref<2x10240x144xf32, #tpu.memory_space<hbm>> -> memref<1x640x144xf32, #tpu.memory_space<hbm>>
      %dma_start3A_22 = tpu.memref_squeeze %dma_start3A_21 : memref<1x640x144xf32, #tpu.memory_space<hbm>> -> memref<640x144xf32, #tpu.memory_space<hbm>>
      %dma_start3A_23 = arith.constant 0 : i32
      %dma_start3A_24 = tpu.memref_slice %arg12[%mul3A_18, %dma_start3A_23] : memref<10240x144xf32, #tpu.memory_space<vmem_shared>> -> memref<640x144xf32, #tpu.memory_space<vmem_shared>>
      tpu.enqueue_dma source(%dma_start3A_24 : memref<640x144xf32, #tpu.memory_space<vmem_shared>>) target(%dma_start3A_22 : memref<640x144xf32, #tpu.memory_space<hbm>>) target_semaphore(%run_scoped3A : memref<!tpu.dma_semaphore, #tpu.memory_space<semaphore_mem>>)
      %dma_wait3A = arith.constant 0 : i32
      %dma_wait3A_25 = tpu.memref_slice %arg6[%arg0, %mul3A_20, %dma_wait3A] : memref<2x10240x144xf32, #tpu.memory_space<hbm>> -> memref<1x640x144xf32, #tpu.memory_space<hbm>>
      %dma_wait3A_26 = tpu.memref_squeeze %dma_wait3A_25 : memref<1x640x144xf32, #tpu.memory_space<hbm>> -> memref<640x144xf32, #tpu.memory_space<hbm>>
      %dma_wait3A_27 = arith.constant 0 : i32
      %dma_wait3A_28 = tpu.memref_slice %arg12[%mul3A_18, %dma_wait3A_27] : memref<10240x144xf32, #tpu.memory_space<vmem_shared>> -> memref<640x144xf32, #tpu.memory_space<vmem_shared>>
      tpu.wait_dma2 semaphore(%run_scoped3A : memref<!tpu.dma_semaphore, #tpu.memory_space<semaphore_mem>>) src(%dma_wait3A_28 : memref<640x144xf32, #tpu.memory_space<vmem_shared>>) dst(%dma_wait3A_26 : memref<640x144xf32, #tpu.memory_space<hbm>>)
      tpu.yield
    }) : () -> ()
    return
  }
}

#map = affine_map<(d0, d1) -> (0, 0)>
#map1 = affine_map<(d0, d1) -> (0)>
#map2 = affine_map<(d0, d1) -> (0, 0, 0)>
module attributes {stable_mosaic.version = 14 : i64} {
  func.func @_edge_body(%arg0: i32, %arg1: i32, %arg2: memref<10001x144xf32, #tpu.memory_space<hbm>>, %arg3: memref<330240xi32, #tpu.memory_space<hbm>>, %arg4: memref<330240xi32, #tpu.memory_space<hbm>>, %arg5: memref<10240x144xf32, #tpu.memory_space<hbm>>, %arg6: memref<2x10240x144xf32, #tpu.memory_space<hbm>>, %arg7: memref<80xi32, #tpu.memory_space<vmem>>, %arg8: memref<80xi32, #tpu.memory_space<vmem>>, %arg9: memref<80x144xf32, #tpu.memory_space<vmem>>, %arg10: memref<80x144xf32, #tpu.memory_space<vmem>>, %arg11: memref<80x144xf32, #tpu.memory_space<vmem>>, %arg12: memref<10240x144xf32, #tpu.memory_space<vmem_shared>>, %arg13: memref<!tpu.dma_semaphore, #tpu.memory_space<semaphore_mem>>, %arg14: memref<!tpu.dma_semaphore, #tpu.memory_space<semaphore_mem>>) attributes {dimension_semantics = [#tpu.dimension_semantics<core_parallel>, #tpu.dimension_semantics<subcore_parallel>], iteration_bounds = array<i64: 2, 16>, scalar_prefetch = 0 : i64, scratch_operands = 8 : i64, tpu.core_type = #tpu.core_type<sc_vector_subcore>, window_params = [{transform_indices = #map}, {transform_indices = #map1}, {transform_indices = #map1}, {transform_indices = #map}, {transform_indices = #map2}]} {
    %mul3A = arith.constant 2 : i32
    %mul3A_0 = arith.muli %arg1, %mul3A : i32
    %add3A = arith.addi %mul3A_0, %arg0 : i32
    %mul3A_1 = arith.constant 640 : i32
    %mul3A_2 = arith.muli %arg1, %mul3A_1 : i32
    %mul3A_3 = arith.constant 640 : i32
    %mul3A_4 = arith.muli %arg1, %mul3A_3 : i32
    "tpu.region"() ({
      %run_scoped3A = tpu.sem_alloc : memref<!tpu.dma_semaphore, #tpu.memory_space<semaphore_mem>>
      %dma_start3A = arith.constant 0 : i32
      %dma_start3A_21 = tpu.memref_slice %arg12[%mul3A_4, %dma_start3A] : memref<10240x144xf32, #tpu.memory_space<vmem_shared>> -> memref<640x144xf32, #tpu.memory_space<vmem_shared>>
      %dma_start3A_22 = arith.constant 0 : i32
      %dma_start3A_23 = tpu.memref_slice %arg5[%mul3A_2, %dma_start3A_22] : memref<10240x144xf32, #tpu.memory_space<hbm>> -> memref<640x144xf32, #tpu.memory_space<hbm>>
      tpu.enqueue_dma source(%dma_start3A_23 : memref<640x144xf32, #tpu.memory_space<hbm>>) target(%dma_start3A_21 : memref<640x144xf32, #tpu.memory_space<vmem_shared>>) target_semaphore(%run_scoped3A : memref<!tpu.dma_semaphore, #tpu.memory_space<semaphore_mem>>)
      %dma_wait3A = arith.constant 0 : i32
      %dma_wait3A_24 = tpu.memref_slice %arg12[%mul3A_4, %dma_wait3A] : memref<10240x144xf32, #tpu.memory_space<vmem_shared>> -> memref<640x144xf32, #tpu.memory_space<vmem_shared>>
      %dma_wait3A_25 = arith.constant 0 : i32
      %dma_wait3A_26 = tpu.memref_slice %arg5[%mul3A_2, %dma_wait3A_25] : memref<10240x144xf32, #tpu.memory_space<hbm>> -> memref<640x144xf32, #tpu.memory_space<hbm>>
      tpu.wait_dma2 semaphore(%run_scoped3A : memref<!tpu.dma_semaphore, #tpu.memory_space<semaphore_mem>>) src(%dma_wait3A_26 : memref<640x144xf32, #tpu.memory_space<hbm>>) dst(%dma_wait3A_24 : memref<640x144xf32, #tpu.memory_space<vmem_shared>>)
      tpu.yield
    }) : () -> ()
    %barrier3A = arith.constant 0 : index
    tpu.barrier barrier_id(%barrier3A)
    %iota3A = tpu.iota {dimensions = array<i32: 0>} : vector<16xi32>
    %xor3A = arith.constant 8 : i32
    %xor3A_5 = vector.broadcast %xor3A : i32 to vector<16xi32>
    %xor3A_6 = arith.xori %iota3A, %xor3A_5 : vector<16xi32>
    %lt3A = arith.constant 8 : i32
    %lt3A_7 = vector.broadcast %lt3A : i32 to vector<16xi32>
    %lt3A_8 = arith.cmpi slt, %iota3A, %lt3A_7 : vector<16xi32>
    %mul3A_9 = arith.constant 10320 : i32
    %mul3A_10 = arith.muli %add3A, %mul3A_9 : i32
    %scan3A = arith.constant 0 : i32
    %scan3A_11 = arith.constant 0 : i32
    %scan3A_12 = arith.constant 129 : i32
    %scan3A_13 = arith.addi %scan3A_11, %scan3A_12 : i32
    %scan3A_14 = arith.constant 1 : i32
    scf.for %scan3A_21 = %scan3A_11 to %scan3A_13 step %scan3A_14  : i32 {
      %mul3A_22 = arith.constant 80 : i32
      %mul3A_23 = arith.muli %scan3A_21, %mul3A_22 : i32
      %add3A_24 = arith.addi %mul3A_10, %mul3A_23 : i32
      "tpu.region"() ({
        %run_scoped3A = tpu.sem_alloc : memref<!tpu.dma_semaphore, #tpu.memory_space<semaphore_mem>>
        %dma_start3A_47 = tpu.memref_slice %arg3[%add3A_24] : memref<330240xi32, #tpu.memory_space<hbm>> -> memref<80xi32, #tpu.memory_space<hbm>>
        %dma_start3A_48 = tpu.memref_slice %arg3[%add3A_24] : memref<330240xi32, #tpu.memory_space<hbm>> -> memref<80xi32, #tpu.memory_space<hbm>>
        tpu.enqueue_dma source(%dma_start3A_48 : memref<80xi32, #tpu.memory_space<hbm>>) target(%arg7 : memref<80xi32, #tpu.memory_space<vmem>>) target_semaphore(%run_scoped3A : memref<!tpu.dma_semaphore, #tpu.memory_space<semaphore_mem>>)
        %dma_wait3A_49 = tpu.memref_slice %arg3[%add3A_24] : memref<330240xi32, #tpu.memory_space<hbm>> -> memref<80xi32, #tpu.memory_space<hbm>>
        %dma_wait3A_50 = tpu.memref_slice %arg3[%add3A_24] : memref<330240xi32, #tpu.memory_space<hbm>> -> memref<80xi32, #tpu.memory_space<hbm>>
        tpu.wait_dma2 semaphore(%run_scoped3A : memref<!tpu.dma_semaphore, #tpu.memory_space<semaphore_mem>>) src(%dma_wait3A_50 : memref<80xi32, #tpu.memory_space<hbm>>) dst(%arg7 : memref<80xi32, #tpu.memory_space<vmem>>)
        tpu.yield
      }) : () -> ()
      "tpu.region"() ({
        %run_scoped3A = tpu.sem_alloc : memref<!tpu.dma_semaphore, #tpu.memory_space<semaphore_mem>>
        %dma_start3A_47 = tpu.memref_slice %arg4[%add3A_24] : memref<330240xi32, #tpu.memory_space<hbm>> -> memref<80xi32, #tpu.memory_space<hbm>>
        %dma_start3A_48 = tpu.memref_slice %arg4[%add3A_24] : memref<330240xi32, #tpu.memory_space<hbm>> -> memref<80xi32, #tpu.memory_space<hbm>>
        tpu.enqueue_dma source(%dma_start3A_48 : memref<80xi32, #tpu.memory_space<hbm>>) target(%arg8 : memref<80xi32, #tpu.memory_space<vmem>>) target_semaphore(%run_scoped3A : memref<!tpu.dma_semaphore, #tpu.memory_space<semaphore_mem>>)
        %dma_wait3A_49 = tpu.memref_slice %arg4[%add3A_24] : memref<330240xi32, #tpu.memory_space<hbm>> -> memref<80xi32, #tpu.memory_space<hbm>>
        %dma_wait3A_50 = tpu.memref_slice %arg4[%add3A_24] : memref<330240xi32, #tpu.memory_space<hbm>> -> memref<80xi32, #tpu.memory_space<hbm>>
        tpu.wait_dma2 semaphore(%run_scoped3A : memref<!tpu.dma_semaphore, #tpu.memory_space<semaphore_mem>>) src(%dma_wait3A_50 : memref<80xi32, #tpu.memory_space<hbm>>) dst(%arg8 : memref<80xi32, #tpu.memory_space<vmem>>)
        tpu.yield
      }) : () -> ()
      %scan3A_25 = arith.constant 0 : i32
      %scan3A_26 = arith.constant 0 : i32
      %scan3A_27 = arith.constant 5 : i32
      %scan3A_28 = arith.addi %scan3A_26, %scan3A_27 : i32
      %scan3A_29 = arith.constant 1 : i32
      scf.for %scan3A_47 = %scan3A_26 to %scan3A_28 step %scan3A_29  : i32 {
        %mul3A_48 = arith.constant 16 : i32
        %mul3A_49 = arith.muli %scan3A_47, %mul3A_48 : i32
        %get3A = arith.index_cast %mul3A_49 : i32 to index
        %get3A_50 = tpu.vector_load %arg7[%get3A] {strides = array<i32>} : memref<80xi32, #tpu.memory_space<vmem>>, vector<16xi32>,
        %get3A_51 = vector.shape_cast %get3A_50 : vector<16xi32> to vector<16xi32>
        %mul3A_52 = arith.constant 16 : i32
        %mul3A_53 = arith.muli %scan3A_47, %mul3A_52 : i32
        %get3A_54 = arith.index_cast %mul3A_53 : i32 to index
        %get3A_55 = tpu.vector_load %arg8[%get3A_54] {strides = array<i32>} : memref<80xi32, #tpu.memory_space<vmem>>, vector<16xi32>,
        %get3A_56 = vector.shape_cast %get3A_55 : vector<16xi32> to vector<16xi32>
        %mul3A_57 = arith.constant 16 : i32
        %mul3A_58 = arith.muli %scan3A_47, %mul3A_57 : i32
        %add3A_59 = arith.addi %add3A_24, %mul3A_58 : i32
        %add3A_60 = vector.broadcast %add3A_59 : i32 to vector<16xi32>
        %add3A_61 = arith.addi %add3A_60, %iota3A : vector<16xi32>
        %eq3A = arith.cmpi eq, %get3A_51, %get3A_56 : vector<16xi32>
        %lt3A_62 = arith.constant 320000 : i32
        %lt3A_63 = vector.broadcast %lt3A_62 : i32 to vector<16xi32>
        %lt3A_64 = arith.cmpi slt, %add3A_61, %lt3A_63 : vector<16xi32>
        %and3A = arith.andi %eq3A, %lt3A_64 : vector<16xi1>
        %jit3A = arith.constant 10000 : i32
        %broadcast_in_dim3A = vector.broadcast %jit3A : i32 to vector<16xi32>
        %select_n3A = arith.select %and3A, %broadcast_in_dim3A, %get3A_51 : vector<16xi1>, vector<16xi32>
        %mul3A_65 = arith.constant 16 : i32
        %mul3A_66 = arith.muli %scan3A_47, %mul3A_65 : i32
        %swap3A = arith.index_cast %mul3A_66 : i32 to index
        %swap3A_67 = tpu.vector_load %arg7[%swap3A] {strides = array<i32>} : memref<80xi32, #tpu.memory_space<vmem>>, vector<16xi32>,
        %swap3A_68 = vector.shape_cast %swap3A_67 : vector<16xi32> to vector<16xi32>
        %swap3A_69 = vector.shape_cast %select_n3A : vector<16xi32> to vector<16xi32>
        tpu.vector_store %arg7[%swap3A], %swap3A_69 {strides = array<i32>} : memref<80xi32, #tpu.memory_space<vmem>>, vector<16xi32>,
      }
      %scan3A_30 = arith.constant 5 : i32
      %dma_start3A = arith.constant 0 : i32
      %dma_start3A_31 = arith.constant 0 : i32
      %dma_start3A_32 = tpu.memref_slice %arg2[%dma_start3A, %dma_start3A_31] : memref<10001x144xf32, #tpu.memory_space<hbm>> -> memref<10001x144xf32, #tpu.memory_space<hbm>>
      tpu.enqueue_indirect_dma source(%dma_start3A_32 : memref<10001x144xf32, #tpu.memory_space<hbm>>) target(%arg9 : memref<80x144xf32, #tpu.memory_space<vmem>>) offsets(%arg7 : memref<80xi32, #tpu.memory_space<vmem>>) semaphore(%arg13 : memref<!tpu.dma_semaphore, #tpu.memory_space<semaphore_mem>>)
      %dma_start3A_33 = arith.constant 0 : i32
      %dma_start3A_34 = arith.constant 0 : i32
      %dma_start3A_35 = tpu.memref_slice %arg2[%dma_start3A_33, %dma_start3A_34] : memref<10001x144xf32, #tpu.memory_space<hbm>> -> memref<10001x144xf32, #tpu.memory_space<hbm>>
      tpu.enqueue_indirect_dma source(%dma_start3A_35 : memref<10001x144xf32, #tpu.memory_space<hbm>>) target(%arg10 : memref<80x144xf32, #tpu.memory_space<vmem>>) offsets(%arg8 : memref<80xi32, #tpu.memory_space<vmem>>) semaphore(%arg14 : memref<!tpu.dma_semaphore, #tpu.memory_space<semaphore_mem>>)
      %dma_wait3A = arith.constant 0 : i32
      %dma_wait3A_36 = arith.constant 0 : i32
      %dma_wait3A_37 = tpu.memref_slice %arg2[%dma_wait3A, %dma_wait3A_36] : memref<10001x144xf32, #tpu.memory_space<hbm>> -> memref<10001x144xf32, #tpu.memory_space<hbm>>
      tpu.wait_indirect_dma semaphore(%arg13 : memref<!tpu.dma_semaphore, #tpu.memory_space<semaphore_mem>>) src(%dma_wait3A_37 : memref<10001x144xf32, #tpu.memory_space<hbm>>) dst(%arg9 : memref<80x144xf32, #tpu.memory_space<vmem>>)
      %dma_wait3A_38 = arith.constant 0 : i32
      %dma_wait3A_39 = arith.constant 0 : i32
      %dma_wait3A_40 = tpu.memref_slice %arg2[%dma_wait3A_38, %dma_wait3A_39] : memref<10001x144xf32, #tpu.memory_space<hbm>> -> memref<10001x144xf32, #tpu.memory_space<hbm>>
      tpu.wait_indirect_dma semaphore(%arg14 : memref<!tpu.dma_semaphore, #tpu.memory_space<semaphore_mem>>) src(%dma_wait3A_40 : memref<10001x144xf32, #tpu.memory_space<hbm>>) dst(%arg10 : memref<80x144xf32, #tpu.memory_space<vmem>>)
      %scan3A_41 = arith.constant 0 : i32
      %scan3A_42 = arith.constant 0 : i32
      %scan3A_43 = arith.constant 80 : i32
      %scan3A_44 = arith.addi %scan3A_42, %scan3A_43 : i32
      %scan3A_45 = arith.constant 1 : i32
      scf.for %scan3A_47 = %scan3A_42 to %scan3A_44 step %scan3A_45  : i32 {
        %get3A = arith.index_cast %scan3A_47 : i32 to index
        %get3A_48 = arith.constant 0 : index
        %get3A_49 = tpu.vector_load %arg9[%get3A, %get3A_48] {strides = array<i32>} : memref<80x144xf32, #tpu.memory_space<vmem>>, vector<1x16xf32>,
        %get3A_50 = vector.shape_cast %get3A_49 : vector<1x16xf32> to vector<16xf32>
        %get3A_51 = arith.index_cast %scan3A_47 : i32 to index
        %get3A_52 = arith.constant 16 : index
        %get3A_53 = tpu.vector_load %arg9[%get3A_51, %get3A_52] {strides = array<i32>} : memref<80x144xf32, #tpu.memory_space<vmem>>, vector<1x16xf32>,
        %get3A_54 = vector.shape_cast %get3A_53 : vector<1x16xf32> to vector<16xf32>
        %get3A_55 = arith.index_cast %scan3A_47 : i32 to index
        %get3A_56 = arith.constant 32 : index
        %get3A_57 = tpu.vector_load %arg9[%get3A_55, %get3A_56] {strides = array<i32>} : memref<80x144xf32, #tpu.memory_space<vmem>>, vector<1x16xf32>,
        %get3A_58 = vector.shape_cast %get3A_57 : vector<1x16xf32> to vector<16xf32>
        %get3A_59 = arith.index_cast %scan3A_47 : i32 to index
        %get3A_60 = arith.constant 48 : index
        %get3A_61 = tpu.vector_load %arg9[%get3A_59, %get3A_60] {strides = array<i32>} : memref<80x144xf32, #tpu.memory_space<vmem>>, vector<1x16xf32>,
        %get3A_62 = vector.shape_cast %get3A_61 : vector<1x16xf32> to vector<16xf32>
        %get3A_63 = arith.index_cast %scan3A_47 : i32 to index
        %get3A_64 = arith.constant 64 : index
        %get3A_65 = tpu.vector_load %arg9[%get3A_63, %get3A_64] {strides = array<i32>} : memref<80x144xf32, #tpu.memory_space<vmem>>, vector<1x16xf32>,
        %get3A_66 = vector.shape_cast %get3A_65 : vector<1x16xf32> to vector<16xf32>
        %get3A_67 = arith.index_cast %scan3A_47 : i32 to index
        %get3A_68 = arith.constant 80 : index
        %get3A_69 = tpu.vector_load %arg9[%get3A_67, %get3A_68] {strides = array<i32>} : memref<80x144xf32, #tpu.memory_space<vmem>>, vector<1x16xf32>,
        %get3A_70 = vector.shape_cast %get3A_69 : vector<1x16xf32> to vector<16xf32>
        %get3A_71 = arith.index_cast %scan3A_47 : i32 to index
        %get3A_72 = arith.constant 96 : index
        %get3A_73 = tpu.vector_load %arg9[%get3A_71, %get3A_72] {strides = array<i32>} : memref<80x144xf32, #tpu.memory_space<vmem>>, vector<1x16xf32>,
        %get3A_74 = vector.shape_cast %get3A_73 : vector<1x16xf32> to vector<16xf32>
        %get3A_75 = arith.index_cast %scan3A_47 : i32 to index
        %get3A_76 = arith.constant 112 : index
        %get3A_77 = tpu.vector_load %arg9[%get3A_75, %get3A_76] {strides = array<i32>} : memref<80x144xf32, #tpu.memory_space<vmem>>, vector<1x16xf32>,
        %get3A_78 = vector.shape_cast %get3A_77 : vector<1x16xf32> to vector<16xf32>
        %get3A_79 = arith.index_cast %scan3A_47 : i32 to index
        %get3A_80 = arith.constant 0 : index
        %get3A_81 = tpu.vector_load %arg10[%get3A_79, %get3A_80] {strides = array<i32>} : memref<80x144xf32, #tpu.memory_space<vmem>>, vector<1x16xf32>,
        %get3A_82 = vector.shape_cast %get3A_81 : vector<1x16xf32> to vector<16xf32>
        %get3A_83 = arith.index_cast %scan3A_47 : i32 to index
        %get3A_84 = arith.constant 16 : index
        %get3A_85 = tpu.vector_load %arg10[%get3A_83, %get3A_84] {strides = array<i32>} : memref<80x144xf32, #tpu.memory_space<vmem>>, vector<1x16xf32>,
        %get3A_86 = vector.shape_cast %get3A_85 : vector<1x16xf32> to vector<16xf32>
        %get3A_87 = arith.index_cast %scan3A_47 : i32 to index
        %get3A_88 = arith.constant 32 : index
        %get3A_89 = tpu.vector_load %arg10[%get3A_87, %get3A_88] {strides = array<i32>} : memref<80x144xf32, #tpu.memory_space<vmem>>, vector<1x16xf32>,
        %get3A_90 = vector.shape_cast %get3A_89 : vector<1x16xf32> to vector<16xf32>
        %get3A_91 = arith.index_cast %scan3A_47 : i32 to index
        %get3A_92 = arith.constant 48 : index
        %get3A_93 = tpu.vector_load %arg10[%get3A_91, %get3A_92] {strides = array<i32>} : memref<80x144xf32, #tpu.memory_space<vmem>>, vector<1x16xf32>,
        %get3A_94 = vector.shape_cast %get3A_93 : vector<1x16xf32> to vector<16xf32>
        %get3A_95 = arith.index_cast %scan3A_47 : i32 to index
        %get3A_96 = arith.constant 64 : index
        %get3A_97 = tpu.vector_load %arg10[%get3A_95, %get3A_96] {strides = array<i32>} : memref<80x144xf32, #tpu.memory_space<vmem>>, vector<1x16xf32>,
        %get3A_98 = vector.shape_cast %get3A_97 : vector<1x16xf32> to vector<16xf32>
        %get3A_99 = arith.index_cast %scan3A_47 : i32 to index
        %get3A_100 = arith.constant 80 : index
        %get3A_101 = tpu.vector_load %arg10[%get3A_99, %get3A_100] {strides = array<i32>} : memref<80x144xf32, #tpu.memory_space<vmem>>, vector<1x16xf32>,
        %get3A_102 = vector.shape_cast %get3A_101 : vector<1x16xf32> to vector<16xf32>
        %get3A_103 = arith.index_cast %scan3A_47 : i32 to index
        %get3A_104 = arith.constant 96 : index
        %get3A_105 = tpu.vector_load %arg10[%get3A_103, %get3A_104] {strides = array<i32>} : memref<80x144xf32, #tpu.memory_space<vmem>>, vector<1x16xf32>,
        %get3A_106 = vector.shape_cast %get3A_105 : vector<1x16xf32> to vector<16xf32>
        %get3A_107 = arith.index_cast %scan3A_47 : i32 to index
        %get3A_108 = arith.constant 112 : index
        %get3A_109 = tpu.vector_load %arg10[%get3A_107, %get3A_108] {strides = array<i32>} : memref<80x144xf32, #tpu.memory_space<vmem>>, vector<1x16xf32>,
        %get3A_110 = vector.shape_cast %get3A_109 : vector<1x16xf32> to vector<16xf32>
        %mul3A_111 = arith.mulf %get3A_50, %get3A_82 : vector<16xf32>
        %mul3A_112 = arith.mulf %get3A_54, %get3A_86 : vector<16xf32>
        %add3A_113 = arith.addf %mul3A_111, %mul3A_112 : vector<16xf32>
        %mul3A_114 = arith.mulf %get3A_58, %get3A_90 : vector<16xf32>
        %add3A_115 = arith.addf %add3A_113, %mul3A_114 : vector<16xf32>
        %mul3A_116 = arith.mulf %get3A_62, %get3A_94 : vector<16xf32>
        %add3A_117 = arith.addf %add3A_115, %mul3A_116 : vector<16xf32>
        %mul3A_118 = arith.mulf %get3A_66, %get3A_98 : vector<16xf32>
        %add3A_119 = arith.addf %add3A_117, %mul3A_118 : vector<16xf32>
        %mul3A_120 = arith.mulf %get3A_70, %get3A_102 : vector<16xf32>
        %add3A_121 = arith.addf %add3A_119, %mul3A_120 : vector<16xf32>
        %mul3A_122 = arith.mulf %get3A_74, %get3A_106 : vector<16xf32>
        %add3A_123 = arith.addf %add3A_121, %mul3A_122 : vector<16xf32>
        %mul3A_124 = arith.mulf %get3A_78, %get3A_110 : vector<16xf32>
        %add3A_125 = arith.addf %add3A_123, %mul3A_124 : vector<16xf32>
        %lt3A_126 = arith.constant 0 : i32
        %lt3A_127 = vector.broadcast %lt3A_126 : i32 to vector<16xi32>
        %lt3A_128 = arith.cmpi slt, %xor3A_6, %lt3A_127 : vector<16xi32>
        %add3A_129 = arith.constant 16 : i32
        %add3A_130 = vector.broadcast %add3A_129 : i32 to vector<16xi32>
        %add3A_131 = arith.addi %xor3A_6, %add3A_130 : vector<16xi32>
        %select_n3A = arith.select %lt3A_128, %add3A_131, %xor3A_6 : vector<16xi1>, vector<16xi32>
        %broadcast_in_dim3A = vector.shape_cast %select_n3A : vector<16xi32> to vector<16x1xi32>
        %gather3A = vector.shape_cast %broadcast_in_dim3A : vector<16x1xi32> to vector<16xi32>
        %gather3A_132 = tpu.dynamic_gather %add3A_125[%gather3A] in [0] : vector<16xf32>, vector<16xi32> -> vector<16xf32>
        %add3A_133 = arith.addf %add3A_125, %gather3A_132 : vector<16xf32>
        %get3A_134 = arith.index_cast %scan3A_47 : i32 to index
        %get3A_135 = arith.constant 128 : index
        %get3A_136 = tpu.vector_load %arg9[%get3A_134, %get3A_135] {strides = array<i32>} : memref<80x144xf32, #tpu.memory_space<vmem>>, vector<1x16xf32>,
        %get3A_137 = vector.shape_cast %get3A_136 : vector<1x16xf32> to vector<16xf32>
        %get3A_138 = arith.index_cast %scan3A_47 : i32 to index
        %get3A_139 = arith.constant 128 : index
        %get3A_140 = tpu.vector_load %arg10[%get3A_138, %get3A_139] {strides = array<i32>} : memref<80x144xf32, #tpu.memory_space<vmem>>, vector<1x16xf32>,
        %get3A_141 = vector.shape_cast %get3A_140 : vector<1x16xf32> to vector<16xf32>
        %select_n3A_142 = arith.select %lt3A_8, %get3A_137, %get3A_141 : vector<16xi1>, vector<16xf32>
        %lt3A_143 = arith.constant 0 : i32
        %lt3A_144 = vector.broadcast %lt3A_143 : i32 to vector<16xi32>
        %lt3A_145 = arith.cmpi slt, %xor3A_6, %lt3A_144 : vector<16xi32>
        %add3A_146 = arith.constant 16 : i32
        %add3A_147 = vector.broadcast %add3A_146 : i32 to vector<16xi32>
        %add3A_148 = arith.addi %xor3A_6, %add3A_147 : vector<16xi32>
        %select_n3A_149 = arith.select %lt3A_145, %add3A_148, %xor3A_6 : vector<16xi1>, vector<16xi32>
        %broadcast_in_dim3A_150 = vector.shape_cast %select_n3A_149 : vector<16xi32> to vector<16x1xi32>
        %gather3A_151 = vector.shape_cast %broadcast_in_dim3A_150 : vector<16x1xi32> to vector<16xi32>
        %gather3A_152 = tpu.dynamic_gather %select_n3A_142[%gather3A_151] in [0] : vector<16xf32>, vector<16xi32> -> vector<16xf32>
        %add3A_153 = arith.addf %select_n3A_142, %gather3A_152 : vector<16xf32>
        %neg3A = arith.constant 0.000000e+00 : f32
        %neg3A_154 = vector.broadcast %neg3A : f32 to vector<16xf32>
        %neg3A_155 = arith.subf %neg3A_154, %add3A_133 : vector<16xf32>
        %exp3A = math.exp %neg3A_155 : vector<16xf32>
        %add3A_156 = arith.constant 1.000000e+00 : f32
        %add3A_157 = vector.broadcast %add3A_156 : f32 to vector<16xf32>
        %add3A_158 = arith.addf %add3A_157, %exp3A : vector<16xf32>
        %div3A = arith.constant 1.000000e+00 : f32
        %div3A_159 = vector.broadcast %div3A : f32 to vector<16xf32>
        %div3A_160 = arith.divf %div3A_159, %add3A_158 : vector<16xf32>
        %mul3A_161 = arith.mulf %add3A_153, %div3A_160 : vector<16xf32>
        %ge3A = arith.constant 0.000000e+00 : f32
        %ge3A_162 = vector.broadcast %ge3A : f32 to vector<16xf32>
        %ge3A_163 = arith.cmpf oge, %mul3A_161, %ge3A_162 : vector<16xf32>
        %mul3A_164 = arith.constant 2.000000e-01 : f32
        %mul3A_165 = vector.broadcast %mul3A_164 : f32 to vector<16xf32>
        %mul3A_166 = arith.mulf %mul3A_165, %mul3A_161 : vector<16xf32>
        %select_n3A_167 = arith.select %ge3A_163, %mul3A_161, %mul3A_166 : vector<16xi1>, vector<16xf32>
        %exp3A_168 = math.exp %select_n3A_167 : vector<16xf32>
        %mul3A_169 = arith.mulf %get3A_50, %exp3A_168 : vector<16xf32>
        %swap3A = arith.index_cast %scan3A_47 : i32 to index
        %swap3A_170 = arith.constant 0 : index
        %swap3A_171 = tpu.vector_load %arg11[%swap3A, %swap3A_170] {strides = array<i32>} : memref<80x144xf32, #tpu.memory_space<vmem>>, vector<1x16xf32>,
        %swap3A_172 = vector.shape_cast %swap3A_171 : vector<1x16xf32> to vector<16xf32>
        %swap3A_173 = vector.shape_cast %mul3A_169 : vector<16xf32> to vector<1x16xf32>
        tpu.vector_store %arg11[%swap3A, %swap3A_170], %swap3A_173 {strides = array<i32>} : memref<80x144xf32, #tpu.memory_space<vmem>>, vector<1x16xf32>,
        %mul3A_174 = arith.mulf %get3A_54, %exp3A_168 : vector<16xf32>
        %swap3A_175 = arith.index_cast %scan3A_47 : i32 to index
        %swap3A_176 = arith.constant 16 : index
        %swap3A_177 = tpu.vector_load %arg11[%swap3A_175, %swap3A_176] {strides = array<i32>} : memref<80x144xf32, #tpu.memory_space<vmem>>, vector<1x16xf32>,
        %swap3A_178 = vector.shape_cast %swap3A_177 : vector<1x16xf32> to vector<16xf32>
        %swap3A_179 = vector.shape_cast %mul3A_174 : vector<16xf32> to vector<1x16xf32>
        tpu.vector_store %arg11[%swap3A_175, %swap3A_176], %swap3A_179 {strides = array<i32>} : memref<80x144xf32, #tpu.memory_space<vmem>>, vector<1x16xf32>,
        %mul3A_180 = arith.mulf %get3A_58, %exp3A_168 : vector<16xf32>
        %swap3A_181 = arith.index_cast %scan3A_47 : i32 to index
        %swap3A_182 = arith.constant 32 : index
        %swap3A_183 = tpu.vector_load %arg11[%swap3A_181, %swap3A_182] {strides = array<i32>} : memref<80x144xf32, #tpu.memory_space<vmem>>, vector<1x16xf32>,
        %swap3A_184 = vector.shape_cast %swap3A_183 : vector<1x16xf32> to vector<16xf32>
        %swap3A_185 = vector.shape_cast %mul3A_180 : vector<16xf32> to vector<1x16xf32>
        tpu.vector_store %arg11[%swap3A_181, %swap3A_182], %swap3A_185 {strides = array<i32>} : memref<80x144xf32, #tpu.memory_space<vmem>>, vector<1x16xf32>,
        %mul3A_186 = arith.mulf %get3A_62, %exp3A_168 : vector<16xf32>
        %swap3A_187 = arith.index_cast %scan3A_47 : i32 to index
        %swap3A_188 = arith.constant 48 : index
        %swap3A_189 = tpu.vector_load %arg11[%swap3A_187, %swap3A_188] {strides = array<i32>} : memref<80x144xf32, #tpu.memory_space<vmem>>, vector<1x16xf32>,
        %swap3A_190 = vector.shape_cast %swap3A_189 : vector<1x16xf32> to vector<16xf32>
        %swap3A_191 = vector.shape_cast %mul3A_186 : vector<16xf32> to vector<1x16xf32>
        tpu.vector_store %arg11[%swap3A_187, %swap3A_188], %swap3A_191 {strides = array<i32>} : memref<80x144xf32, #tpu.memory_space<vmem>>, vector<1x16xf32>,
        %mul3A_192 = arith.mulf %get3A_66, %exp3A_168 : vector<16xf32>
        %swap3A_193 = arith.index_cast %scan3A_47 : i32 to index
        %swap3A_194 = arith.constant 64 : index
        %swap3A_195 = tpu.vector_load %arg11[%swap3A_193, %swap3A_194] {strides = array<i32>} : memref<80x144xf32, #tpu.memory_space<vmem>>, vector<1x16xf32>,
        %swap3A_196 = vector.shape_cast %swap3A_195 : vector<1x16xf32> to vector<16xf32>
        %swap3A_197 = vector.shape_cast %mul3A_192 : vector<16xf32> to vector<1x16xf32>
        tpu.vector_store %arg11[%swap3A_193, %swap3A_194], %swap3A_197 {strides = array<i32>} : memref<80x144xf32, #tpu.memory_space<vmem>>, vector<1x16xf32>,
        %mul3A_198 = arith.mulf %get3A_70, %exp3A_168 : vector<16xf32>
        %swap3A_199 = arith.index_cast %scan3A_47 : i32 to index
        %swap3A_200 = arith.constant 80 : index
        %swap3A_201 = tpu.vector_load %arg11[%swap3A_199, %swap3A_200] {strides = array<i32>} : memref<80x144xf32, #tpu.memory_space<vmem>>, vector<1x16xf32>,
        %swap3A_202 = vector.shape_cast %swap3A_201 : vector<1x16xf32> to vector<16xf32>
        %swap3A_203 = vector.shape_cast %mul3A_198 : vector<16xf32> to vector<1x16xf32>
        tpu.vector_store %arg11[%swap3A_199, %swap3A_200], %swap3A_203 {strides = array<i32>} : memref<80x144xf32, #tpu.memory_space<vmem>>, vector<1x16xf32>,
        %mul3A_204 = arith.mulf %get3A_74, %exp3A_168 : vector<16xf32>
        %swap3A_205 = arith.index_cast %scan3A_47 : i32 to index
        %swap3A_206 = arith.constant 96 : index
        %swap3A_207 = tpu.vector_load %arg11[%swap3A_205, %swap3A_206] {strides = array<i32>} : memref<80x144xf32, #tpu.memory_space<vmem>>, vector<1x16xf32>,
        %swap3A_208 = vector.shape_cast %swap3A_207 : vector<1x16xf32> to vector<16xf32>
        %swap3A_209 = vector.shape_cast %mul3A_204 : vector<16xf32> to vector<1x16xf32>
        tpu.vector_store %arg11[%swap3A_205, %swap3A_206], %swap3A_209 {strides = array<i32>} : memref<80x144xf32, #tpu.memory_space<vmem>>, vector<1x16xf32>,
        %mul3A_210 = arith.mulf %get3A_78, %exp3A_168 : vector<16xf32>
        %swap3A_211 = arith.index_cast %scan3A_47 : i32 to index
        %swap3A_212 = arith.constant 112 : index
        %swap3A_213 = tpu.vector_load %arg11[%swap3A_211, %swap3A_212] {strides = array<i32>} : memref<80x144xf32, #tpu.memory_space<vmem>>, vector<1x16xf32>,
        %swap3A_214 = vector.shape_cast %swap3A_213 : vector<1x16xf32> to vector<16xf32>
        %swap3A_215 = vector.shape_cast %mul3A_210 : vector<16xf32> to vector<1x16xf32>
        tpu.vector_store %arg11[%swap3A_211, %swap3A_212], %swap3A_215 {strides = array<i32>} : memref<80x144xf32, #tpu.memory_space<vmem>>, vector<1x16xf32>,
        %swap3A_216 = arith.index_cast %scan3A_47 : i32 to index
        %swap3A_217 = arith.constant 128 : index
        %swap3A_218 = tpu.vector_load %arg11[%swap3A_216, %swap3A_217] {strides = array<i32>} : memref<80x144xf32, #tpu.memory_space<vmem>>, vector<1x16xf32>,
        %swap3A_219 = vector.shape_cast %swap3A_218 : vector<1x16xf32> to vector<16xf32>
        %swap3A_220 = vector.shape_cast %exp3A_168 : vector<16xf32> to vector<1x16xf32>
        tpu.vector_store %arg11[%swap3A_216, %swap3A_217], %swap3A_220 {strides = array<i32>} : memref<80x144xf32, #tpu.memory_space<vmem>>, vector<1x16xf32>,
      }
      %scan3A_46 = arith.constant 80 : i32
      "tpu.region"() ({
        %run_scoped3A = tpu.sem_alloc : memref<!tpu.dma_semaphore, #tpu.memory_space<semaphore_mem>>
        %dma_start3A_47 = arith.constant 0 : i32
        %dma_start3A_48 = arith.constant 0 : i32
        %dma_start3A_49 = tpu.memref_slice %arg12[%dma_start3A_47, %dma_start3A_48] : memref<10240x144xf32, #tpu.memory_space<vmem_shared>> -> memref<10240x144xf32, #tpu.memory_space<vmem_shared>>
        tpu.enqueue_indirect_dma source(%arg11 : memref<80x144xf32, #tpu.memory_space<vmem>>) target(%dma_start3A_49 : memref<10240x144xf32, #tpu.memory_space<vmem_shared>>) offsets(%arg8 : memref<80xi32, #tpu.memory_space<vmem>>) semaphore(%run_scoped3A : memref<!tpu.dma_semaphore, #tpu.memory_space<semaphore_mem>>) {add = true}
        %dma_wait3A_50 = arith.constant 0 : i32
        %dma_wait3A_51 = arith.constant 0 : i32
        %dma_wait3A_52 = tpu.memref_slice %arg12[%dma_wait3A_50, %dma_wait3A_51] : memref<10240x144xf32, #tpu.memory_space<vmem_shared>> -> memref<10240x144xf32, #tpu.memory_space<vmem_shared>>
        tpu.wait_indirect_dma semaphore(%run_scoped3A : memref<!tpu.dma_semaphore, #tpu.memory_space<semaphore_mem>>) src(%arg11 : memref<80x144xf32, #tpu.memory_space<vmem>>) dst(%dma_wait3A_52 : memref<10240x144xf32, #tpu.memory_space<vmem_shared>>)
        tpu.yield
      }) : () -> ()
    }
    %scan3A_15 = arith.constant 129 : i32
    %barrier3A_16 = arith.constant 0 : index
    tpu.barrier barrier_id(%barrier3A_16)
    %mul3A_17 = arith.constant 640 : i32
    %mul3A_18 = arith.muli %arg1, %mul3A_17 : i32
    %mul3A_19 = arith.constant 640 : i32
    %mul3A_20 = arith.muli %arg1, %mul3A_19 : i32
    "tpu.region"() ({
      %run_scoped3A = tpu.sem_alloc : memref<!tpu.dma_semaphore, #tpu.memory_space<semaphore_mem>>
      %dma_start3A = arith.constant 0 : i32
      %dma_start3A_21 = tpu.memref_slice %arg6[%arg0, %mul3A_20, %dma_start3A] : memref<2x10240x144xf32, #tpu.memory_space<hbm>> -> memref<1x640x144xf32, #tpu.memory_space<hbm>>
      %dma_start3A_22 = tpu.memref_squeeze %dma_start3A_21 : memref<1x640x144xf32, #tpu.memory_space<hbm>> -> memref<640x144xf32, #tpu.memory_space<hbm>>
      %dma_start3A_23 = arith.constant 0 : i32
      %dma_start3A_24 = tpu.memref_slice %arg12[%mul3A_18, %dma_start3A_23] : memref<10240x144xf32, #tpu.memory_space<vmem_shared>> -> memref<640x144xf32, #tpu.memory_space<vmem_shared>>
      tpu.enqueue_dma source(%dma_start3A_24 : memref<640x144xf32, #tpu.memory_space<vmem_shared>>) target(%dma_start3A_22 : memref<640x144xf32, #tpu.memory_space<hbm>>) target_semaphore(%run_scoped3A : memref<!tpu.dma_semaphore, #tpu.memory_space<semaphore_mem>>)
      %dma_wait3A = arith.constant 0 : i32
      %dma_wait3A_25 = tpu.memref_slice %arg6[%arg0, %mul3A_20, %dma_wait3A] : memref<2x10240x144xf32, #tpu.memory_space<hbm>> -> memref<1x640x144xf32, #tpu.memory_space<hbm>>
      %dma_wait3A_26 = tpu.memref_squeeze %dma_wait3A_25 : memref<1x640x144xf32, #tpu.memory_space<hbm>> -> memref<640x144xf32, #tpu.memory_space<hbm>>
      %dma_wait3A_27 = arith.constant 0 : i32
      %dma_wait3A_28 = tpu.memref_slice %arg12[%mul3A_18, %dma_wait3A_27] : memref<10240x144xf32, #tpu.memory_space<vmem_shared>> -> memref<640x144xf32, #tpu.memory_space<vmem_shared>>
      tpu.wait_dma2 semaphore(%run_scoped3A : memref<!tpu.dma_semaphore, #tpu.memory_space<semaphore_mem>>) src(%dma_wait3A_28 : memref<640x144xf32, #tpu.memory_space<vmem_shared>>) dst(%dma_wait3A_26 : memref<640x144xf32, #tpu.memory_space<hbm>>)
      tpu.yield
    }) : () -> ()
    return
  }
}

module attributes {stable_mosaic.version = 14 : i64} {
  func.func @_mm_body(%arg0: i32, %arg1: memref<1000x128xf32, #tpu.memory_space<vmem>>, %arg2: memref<128x144xf32, #tpu.memory_space<vmem>>, %arg3: memref<1000x144xf32, #tpu.memory_space<vmem>>) attributes {dimension_semantics = [#tpu.dimension_semantics<arbitrary>], iteration_bounds = array<i64: 10>, scalar_prefetch = 0 : i64, scratch_operands = 0 : i64, tpu.core_type = #tpu.core_type<tc>, window_params = [{transform_indices = @transform_0, window_bounds = array<i64: 1000, 128>}, {pipeline_mode = #tpu.pipeline_mode<synchronous>, transform_indices = @transform_1, window_bounds = array<i64: 128, 144>}, {transform_indices = @transform_2, window_bounds = array<i64: 1000, 144>}]} {
    %get3A = arith.constant 0 : index
    %get3A_0 = arith.constant 0 : index
    %get3A_1 = vector.load %arg1[%get3A, %get3A_0] : memref<1000x128xf32, #tpu.memory_space<vmem>>, vector<1000x128xf32>
    %get3A_2 = arith.constant 0 : index
    %get3A_3 = arith.constant 0 : index
    %get3A_4 = vector.load %arg2[%get3A_2, %get3A_3] : memref<128x144xf32, #tpu.memory_space<vmem>>, vector<128x144xf32>
    %dot_general3A = arith.constant dense<0.000000e+00> : vector<1000x144xf32>
    %dot_general3A_5 = tpu.matmul %get3A_1, %get3A_4, %dot_general3A {dimension_numbers = #tpu.dot_dimension_numbers<[1], [0], [0], [1], [0, 0, 1, 1], [], []>, transpose_lhs_hint = false} : vector<1000x128xf32>, vector<128x144xf32>, vector<1000x144xf32> -> vector<1000x144xf32>
    %swap3A = arith.constant 0 : index
    %swap3A_6 = arith.constant 0 : index
    %swap3A_7 = vector.load %arg3[%swap3A, %swap3A_6] : memref<1000x144xf32, #tpu.memory_space<vmem>>, vector<1000x144xf32>
    tpu.vector_store %arg3[%swap3A, %swap3A_6], %dot_general3A_5 {strides = array<i32>} : memref<1000x144xf32, #tpu.memory_space<vmem>>, vector<1000x144xf32>,
    return
  }
  func.func @transform_0(%arg0: i32) -> (i32, i32) {
    %c0_i32 = arith.constant 0 : i32
    %c0_i32_0 = arith.constant 0 : i32
    return %arg0, %c0_i32 : i32, i32
  }
  func.func @transform_1(%arg0: i32) -> (i32, i32) {
    %c0_i32 = arith.constant 0 : i32
    %c0_i32_0 = arith.constant 0 : i32
    %c0_i32_1 = arith.constant 0 : i32
    return %c0_i32, %c0_i32_0 : i32, i32
  }
  func.func @transform_2(%arg0: i32) -> (i32, i32) {
    %c0_i32 = arith.constant 0 : i32
    %c0_i32_0 = arith.constant 0 : i32
    return %arg0, %c0_i32 : i32, i32
  }
}

module attributes {stable_mosaic.version = 14 : i64} {
  func.func @_layer2_body(%arg0: i32, %arg1: memref<2x1000x144xf32, #tpu.memory_space<vmem>>, %arg2: memref<1x128xf32, #tpu.memory_space<vmem>>, %arg3: memref<128x144xf32, #tpu.memory_space<vmem>>, %arg4: memref<1000x144xf32, #tpu.memory_space<vmem>>) attributes {dimension_semantics = [#tpu.dimension_semantics<arbitrary>], iteration_bounds = array<i64: 10>, scalar_prefetch = 0 : i64, scratch_operands = 0 : i64, tpu.core_type = #tpu.core_type<tc>, window_params = [{transform_indices = @transform_0, window_bounds = array<i64: 2, 1000, 144>}, {pipeline_mode = #tpu.pipeline_mode<synchronous>, transform_indices = @transform_1, window_bounds = array<i64: 1, 128>}, {pipeline_mode = #tpu.pipeline_mode<synchronous>, transform_indices = @transform_2, window_bounds = array<i64: 128, 144>}, {transform_indices = @transform_3, window_bounds = array<i64: 1000, 144>}]} {
    %get3A = arith.constant 0 : index
    %get3A_0 = arith.constant 0 : index
    %get3A_1 = arith.constant 0 : index
    %get3A_2 = vector.load %arg1[%get3A, %get3A_0, %get3A_1] : memref<2x1000x144xf32, #tpu.memory_space<vmem>>, vector<1x1000x144xf32>
    %get3A_3 = vector.shape_cast %get3A_2 : vector<1x1000x144xf32> to vector<1000x144xf32>
    %get3A_4 = arith.constant 1 : index
    %get3A_5 = arith.constant 0 : index
    %get3A_6 = arith.constant 0 : index
    %get3A_7 = vector.load %arg1[%get3A_4, %get3A_5, %get3A_6] : memref<2x1000x144xf32, #tpu.memory_space<vmem>>, vector<1x1000x144xf32>
    %get3A_8 = vector.shape_cast %get3A_7 : vector<1x1000x144xf32> to vector<1000x144xf32>
    %add3A = arith.addf %get3A_3, %get3A_8 : vector<1000x144xf32>
    %slice3A = vector.extract_strided_slice %add3A {offsets = [0, 0], sizes = [1000, 128], strides = [1, 1]} : vector<1000x144xf32> to vector<1000x128xf32>
    %slice3A_9 = vector.extract_strided_slice %add3A {offsets = [0, 128], sizes = [1000, 16], strides = [1, 1]} : vector<1000x144xf32> to vector<1000x16xf32>
    %concatenate3A = tpu.concatenate %slice3A_9, %slice3A_9, %slice3A_9, %slice3A_9, %slice3A_9, %slice3A_9, %slice3A_9, %slice3A_9 in 1 : vector<1000x16xf32>, vector<1000x16xf32>, vector<1000x16xf32>, vector<1000x16xf32>, vector<1000x16xf32>, vector<1000x16xf32>, vector<1000x16xf32>, vector<1000x16xf32> -> vector<1000x128xf32>
    %add3A_10 = arith.constant 1.000000e-16 : f32
    %add3A_11 = vector.broadcast %add3A_10 : f32 to vector<1000x128xf32>
    %add3A_12 = arith.addf %concatenate3A, %add3A_11 : vector<1000x128xf32>
    %div3A = arith.divf %slice3A, %add3A_12 : vector<1000x128xf32>
    %get3A_13 = arith.constant 0 : index
    %get3A_14 = arith.constant 0 : index
    %get3A_15 = vector.load %arg2[%get3A_13, %get3A_14] : memref<1x128xf32, #tpu.memory_space<vmem>>, vector<1x128xf32>
    %add3A_16 = vector.broadcast %get3A_15 : vector<1x128xf32> to vector<1000x128xf32>
    %add3A_17 = arith.addf %div3A, %add3A_16 : vector<1000x128xf32>
    %gt3A = arith.constant 0.000000e+00 : f32
    %gt3A_18 = vector.broadcast %gt3A : f32 to vector<1000x128xf32>
    %gt3A_19 = arith.cmpf ogt, %add3A_17, %gt3A_18 : vector<1000x128xf32>
    %exp3A = math.exp %add3A_17 : vector<1000x128xf32>
    %sub3A = arith.constant 1.000000e+00 : f32
    %sub3A_20 = vector.broadcast %sub3A : f32 to vector<1000x128xf32>
    %sub3A_21 = arith.subf %exp3A, %sub3A_20 : vector<1000x128xf32>
    %select_n3A = arith.select %gt3A_19, %add3A_17, %sub3A_21 : vector<1000x128xi1>, vector<1000x128xf32>
    %get3A_22 = arith.constant 0 : index
    %get3A_23 = arith.constant 0 : index
    %get3A_24 = vector.load %arg3[%get3A_22, %get3A_23] : memref<128x144xf32, #tpu.memory_space<vmem>>, vector<128x144xf32>
    %dot_general3A = arith.constant dense<0.000000e+00> : vector<1000x144xf32>
    %dot_general3A_25 = tpu.matmul %select_n3A, %get3A_24, %dot_general3A {dimension_numbers = #tpu.dot_dimension_numbers<[1], [0], [0], [1], [0, 0, 1, 1], [], []>, transpose_lhs_hint = false} : vector<1000x128xf32>, vector<128x144xf32>, vector<1000x144xf32> -> vector<1000x144xf32>
    %swap3A = arith.constant 0 : index
    %swap3A_26 = arith.constant 0 : index
    %swap3A_27 = vector.load %arg4[%swap3A, %swap3A_26] : memref<1000x144xf32, #tpu.memory_space<vmem>>, vector<1000x144xf32>
    tpu.vector_store %arg4[%swap3A, %swap3A_26], %dot_general3A_25 {strides = array<i32>} : memref<1000x144xf32, #tpu.memory_space<vmem>>, vector<1000x144xf32>,
    return
  }
  func.func @transform_0(%arg0: i32) -> (i32, i32, i32) {
    %c0_i32 = arith.constant 0 : i32
    %c0_i32_0 = arith.constant 0 : i32
    %c0_i32_1 = arith.constant 0 : i32
    return %c0_i32, %arg0, %c0_i32_0 : i32, i32, i32
  }
  func.func @transform_1(%arg0: i32) -> (i32, i32) {
    %c0_i32 = arith.constant 0 : i32
    %c0_i32_0 = arith.constant 0 : i32
    %c0_i32_1 = arith.constant 0 : i32
    return %c0_i32, %c0_i32_0 : i32, i32
  }
  func.func @transform_2(%arg0: i32) -> (i32, i32) {
    %c0_i32 = arith.constant 0 : i32
    %c0_i32_0 = arith.constant 0 : i32
    %c0_i32_1 = arith.constant 0 : i32
    return %c0_i32, %c0_i32_0 : i32, i32
  }
  func.func @transform_3(%arg0: i32) -> (i32, i32) {
    %c0_i32 = arith.constant 0 : i32
    %c0_i32_0 = arith.constant 0 : i32
    return %arg0, %c0_i32 : i32, i32
  }
}

module attributes {stable_mosaic.version = 14 : i64} {
  func.func @_final_body(%arg0: i32, %arg1: memref<2x1000x144xf32, #tpu.memory_space<vmem>>, %arg2: memref<128x16xf32, #tpu.memory_space<vmem>>, %arg3: memref<1x16xf32, #tpu.memory_space<vmem>>, %arg4: memref<1000x16xf32, #tpu.memory_space<vmem>>) attributes {dimension_semantics = [#tpu.dimension_semantics<arbitrary>], iteration_bounds = array<i64: 10>, scalar_prefetch = 0 : i64, scratch_operands = 0 : i64, tpu.core_type = #tpu.core_type<tc>, window_params = [{transform_indices = @transform_0, window_bounds = array<i64: 2, 1000, 144>}, {pipeline_mode = #tpu.pipeline_mode<synchronous>, transform_indices = @transform_1, window_bounds = array<i64: 128, 16>}, {pipeline_mode = #tpu.pipeline_mode<synchronous>, transform_indices = @transform_2, window_bounds = array<i64: 1, 16>}, {transform_indices = @transform_3, window_bounds = array<i64: 1000, 16>}]} {
    %get3A = arith.constant 0 : index
    %get3A_0 = arith.constant 0 : index
    %get3A_1 = arith.constant 0 : index
    %get3A_2 = vector.load %arg1[%get3A, %get3A_0, %get3A_1] : memref<2x1000x144xf32, #tpu.memory_space<vmem>>, vector<1x1000x144xf32>
    %get3A_3 = vector.shape_cast %get3A_2 : vector<1x1000x144xf32> to vector<1000x144xf32>
    %get3A_4 = arith.constant 1 : index
    %get3A_5 = arith.constant 0 : index
    %get3A_6 = arith.constant 0 : index
    %get3A_7 = vector.load %arg1[%get3A_4, %get3A_5, %get3A_6] : memref<2x1000x144xf32, #tpu.memory_space<vmem>>, vector<1x1000x144xf32>
    %get3A_8 = vector.shape_cast %get3A_7 : vector<1x1000x144xf32> to vector<1000x144xf32>
    %add3A = arith.addf %get3A_3, %get3A_8 : vector<1000x144xf32>
    %slice3A = vector.extract_strided_slice %add3A {offsets = [0, 0], sizes = [1000, 128], strides = [1, 1]} : vector<1000x144xf32> to vector<1000x128xf32>
    %slice3A_9 = vector.extract_strided_slice %add3A {offsets = [0, 128], sizes = [1000, 16], strides = [1, 1]} : vector<1000x144xf32> to vector<1000x16xf32>
    %concatenate3A = tpu.concatenate %slice3A_9, %slice3A_9, %slice3A_9, %slice3A_9, %slice3A_9, %slice3A_9, %slice3A_9, %slice3A_9 in 1 : vector<1000x16xf32>, vector<1000x16xf32>, vector<1000x16xf32>, vector<1000x16xf32>, vector<1000x16xf32>, vector<1000x16xf32>, vector<1000x16xf32>, vector<1000x16xf32> -> vector<1000x128xf32>
    %add3A_10 = arith.constant 1.000000e-16 : f32
    %add3A_11 = vector.broadcast %add3A_10 : f32 to vector<1000x128xf32>
    %add3A_12 = arith.addf %concatenate3A, %add3A_11 : vector<1000x128xf32>
    %div3A = arith.divf %slice3A, %add3A_12 : vector<1000x128xf32>
    %get3A_13 = arith.constant 0 : index
    %get3A_14 = arith.constant 0 : index
    %get3A_15 = vector.load %arg2[%get3A_13, %get3A_14] : memref<128x16xf32, #tpu.memory_space<vmem>>, vector<128x16xf32>
    %dot_general3A = arith.constant dense<0.000000e+00> : vector<1000x16xf32>
    %dot_general3A_16 = tpu.matmul %div3A, %get3A_15, %dot_general3A {dimension_numbers = #tpu.dot_dimension_numbers<[1], [0], [0], [1], [0, 0, 1, 1], [], []>, transpose_lhs_hint = false} : vector<1000x128xf32>, vector<128x16xf32>, vector<1000x16xf32> -> vector<1000x16xf32>
    %get3A_17 = arith.constant 0 : index
    %get3A_18 = arith.constant 0 : index
    %get3A_19 = vector.load %arg3[%get3A_17, %get3A_18] : memref<1x16xf32, #tpu.memory_space<vmem>>, vector<1x16xf32>
    %add3A_20 = vector.broadcast %get3A_19 : vector<1x16xf32> to vector<1000x16xf32>
    %add3A_21 = arith.addf %dot_general3A_16, %add3A_20 : vector<1000x16xf32>
    %swap3A = arith.constant 0 : index
    %swap3A_22 = arith.constant 0 : index
    %swap3A_23 = vector.load %arg4[%swap3A, %swap3A_22] : memref<1000x16xf32, #tpu.memory_space<vmem>>, vector<1000x16xf32>
    tpu.vector_store %arg4[%swap3A, %swap3A_22], %add3A_21 {strides = array<i32>} : memref<1000x16xf32, #tpu.memory_space<vmem>>, vector<1000x16xf32>,
    return
  }
  func.func @transform_0(%arg0: i32) -> (i32, i32, i32) {
    %c0_i32 = arith.constant 0 : i32
    %c0_i32_0 = arith.constant 0 : i32
    %c0_i32_1 = arith.constant 0 : i32
    return %c0_i32, %arg0, %c0_i32_0 : i32, i32, i32
  }
  func.func @transform_1(%arg0: i32) -> (i32, i32) {
    %c0_i32 = arith.constant 0 : i32
    %c0_i32_0 = arith.constant 0 : i32
    %c0_i32_1 = arith.constant 0 : i32
    return %c0_i32, %c0_i32_0 : i32, i32
  }
  func.func @transform_2(%arg0: i32) -> (i32, i32) {
    %c0_i32 = arith.constant 0 : i32
    %c0_i32_0 = arith.constant 0 : i32
    %c0_i32_1 = arith.constant 0 : i32
    return %c0_i32, %c0_i32_0 : i32, i32
  }
  func.func @transform_3(%arg0: i32) -> (i32, i32) {
    %c0_i32 = arith.constant 0 : i32
    %c0_i32_0 = arith.constant 0 : i32
    return %arg0, %c0_i32 : i32, i32
  }
}

</mosaic_0001>

<sc_bundles>
// kernel: kernel.10.cloned.1.call-start
scs
__scs_entry_jumppad:
0x0: {  	(pc) =	sbr.rel $0x88, $3  }
0x1: {  	(tag) =	ssettag $0x0;
	lr =	simm.s32 $0x1  }
0x2: {  	[smem:$0x3F97] =	sst lr;
	_ =	strace $0xD0000000  }
0x3: {  	_ = 	snop  }
0x4: {  	_ = 	snop  }
0x5: {  	_ = 	snop  }
0x6: {  	_ = 	snop  }
0x7: {  	_ = 	snop  }
__scs_overlays_trampoline_lowered:
0x8: {  	[smem:$0x3FA6] =	sst s0  }
0x9: {  	[smem:$0x3FA7] =	sst s1  }
0xa: {  	[smem:$0x3FA8] =	sst s2  }
0xb: {  	[smem:$0x3FA9] =	sst s3  }
0xc: {  	[smem:$0x3FAA] =	sst s4  }
0xd: {  	[smem:$0x3FAB] =	sst s5  }
0xe: {  	[smem:$0x3FAC] =	sst s6  }
0xf: {  	[smem:$0x3FAD] =	sst s7  }
0x10: {  	[smem:$0x3FAE] =	sst s8  }
0x11: {  	[smem:$0x3FAF] =	sst s9;
	s0 =	simm.s32 @!p0 $0x0  }
0x12: {  	s1 =	sld [smem:$0x3F95];
	s0 =	simm.s32 @p0 $0x1  }
0x13: {  	[smem:$0x3FB0] =	sst s0;
	s0 =	simm.s32 @!p1 $0x0  }
0x14: {  	s2 =	sld [smem:$0x3F94];
	s0 =	simm.s32 @p1 $0x1  }
0x15: {  	[smem:$0x3FB1] =	sst s0;
	s0 =	simm.s32 @!p2 $0x0  }
0x16: {  	s3 =	sld [smem:$0x3FDB];
	s0 =	simm.s32 @p2 $0x1  }
0x17: {  	s4 =	simm.s32 $0x1BF5;
	[smem:$0x3FB3] =	sst s0  }
0x18: {  	s0 =	sld [smem:$0x3F96];
	_ =	swait.ge [sflag:s4], $0x0  }
0x19: {  	s7 =	sld [smem:$0x3F97]  }
0x1a: {  	s8 =	sadd.s32 $0xFFFFE003, lr  }
0x1b: {  	s9 =	sadd.s32 $0xFFFFFEF7, lr;
	s5 =	simm.s32 $0xFFFFFFFF;
	p2 =	slt.u32 s8, $0xFFFFF086  }
0x1c: {  	p1 =	slt.u32 s9, $0xF7A;
	s5 =	simm.s32 @!p2 $0x0  }
0x1d: {  	s5 =	simm.s32 @p1 $0x1;
	p0 =	seq.s32 s7, s2  }
0x1e: {  	s7 =	smul.u32 @!p0 $0xF7A, s2;
	p2 =	seq.s32 @!p0 s5, $0x0  }
0x1f: {  	s9 =	smul.u32 $0xF7A, s1;
	s8 =	simm.s32 @!p0 $0x1BF5;
	p2 =	por !p2, p0  }
0x20: {  	[sflag:s8] =	ssyncset.s32 @!p0 $0xFFFFF086;
	s6 =	sadd.s32 @!p0 s3, s7;
	s7 =	simm.s32 @!p0 $0x108  }
0x21: {  	s3 =	sadd.s32 s3, s9;
	s6 =	sadd.s32 @!p0 $0x88, s6;
	s7 =	simm.s32 @p2 $0x1082  }
0x22: {  	[simem:s7], [sflag:s8] =	dma.local @!p0 [hbm:s6], $0xF7A  }
0x23: {  	s9 =	sor.u32 $0xD0000000, s2;
	s6 =	simm.s32 $0x108;
	_ =	swait.ge @!p0 [sflag:s8], $0x0  }
0x24: {  	s3 =	sadd.s32 $0x88, s3;
	s6 =	simm.s32 @!p1 $0x1082;
	[sflag:s4] =	ssyncset.s32 $0xFFFFF086  }
0x25: {  	[simem:s6], [sflag:s4] =	dma.local [hbm:s3], $0xF7A  }
0x26: {  	[smem:$0x3F97] =	sst s1;
	(tag) =	ssettag s2;
	_ =	strace s9  }
0x27: {  	s1 =	sld [smem:$0x3FA7]  }
0x28: {  	s2 =	sld [smem:$0x3FA8]  }
0x29: {  	s4 =	sld [smem:$0x3FAA]  }
0x2a: {  	p0 =	seq.s32 s5, $0x0;
	s5 =	sld [smem:$0x3FAB]  }
0x2b: {  	s6 =	sld [smem:$0x3FAC]  }
0x2c: {  	s7 =	sld [smem:$0x3FAD]  }
0x2d: {  	s3 =	simm.s32 $0x108;
	s8 =	sld [smem:$0x3FAE]  }
0x2e: {  	s3 =	simm.s32 @!p0 $0x1082;
	s9 =	sld [smem:$0x3FAF]  }
0x2f: {  	lr =	sadd.s32 s0, s3;
	s0 =	sld [smem:$0x3FA6]  }
0x30: {  	s3 =	sld [smem:$0x3FA9]  }
0x31: {  	[smem:$0x3FB2] =	sst s10  }
0x32: {  	s10 =	sld [smem:$0x3FB0];
	_ =	sdelay $0x3  }
0x33: {  	p0 =	seq.s32 s10, $0x1;
	s10 =	sld [smem:$0x3FB2];
	_ =	sdelay $0x3  }
0x34: {  	[smem:$0x3FB2] =	sst s10  }
0x35: {  	s10 =	sld [smem:$0x3FB1];
	_ =	sdelay $0x3  }
0x36: {  	p1 =	seq.s32 s10, $0x1;
	s10 =	sld [smem:$0x3FB2];
	_ =	sdelay $0x3  }
0x37: {  	[smem:$0x3FB2] =	sst s10  }
0x38: {  	s10 =	sld [smem:$0x3FB3]  }
0x39: {  	_ = 	snop;
	(pc) =	sbr.ind lr, $3  }
0x3a: {  	_ = 	snop  }
0x3b: {  	_ = 	snop  }
0x3c: {  	p2 =	seq.s32 s10, $0x1;
	s10 =	sld [smem:$0x3FB2]  }
0x3d: {  	_ =	shalt  }
0x3e: {  	_ =	shalt  }
0x3f: {  	_ =	shalt  }
0x40: {  	_ =	shalt  }
0x41: {  	_ =	shalt  }
0x42: {  	_ =	shalt  }
0x43: {  	_ =	shalt  }
0x44: {  	_ =	shalt  }
0x45: {  	_ =	shalt  }
0x46: {  	_ =	shalt  }
0x47: {  	_ =	shalt  }
0x48: {  	_ =	shalt  }
0x49: {  	_ =	shalt  }
0x4a: {  	_ =	shalt  }
0x4b: {  	_ =	shalt  }
0x4c: {  	_ =	shalt  }
0x4d: {  	_ =	shalt  }
0x4e: {  	_ =	shalt  }
0x4f: {  	_ =	shalt  }
0x50: {  	_ =	shalt  }
0x51: {  	_ =	shalt  }
0x52: {  	_ =	shalt  }
0x53: {  	_ =	shalt  }
0x54: {  	_ =	shalt  }
0x55: {  	_ =	shalt  }
0x56: {  	_ =	shalt  }
0x57: {  	_ =	shalt  }
0x58: {  	_ =	shalt  }
0x59: {  	_ =	shalt  }
0x5a: {  	_ =	shalt  }
0x5b: {  	_ =	shalt  }
0x5c: {  	_ =	shalt  }
0x5d: {  	_ =	shalt  }
0x5e: {  	_ =	shalt  }
0x5f: {  	_ =	shalt  }
0x60: {  	_ =	shalt  }
0x61: {  	_ =	shalt  }
0x62: {  	_ =	shalt  }
0x63: {  	_ =	shalt  }
0x64: {  	_ =	shalt  }
0x65: {  	_ =	shalt  }
0x66: {  	_ =	shalt  }
0x67: {  	_ =	shalt  }
0x68: {  	_ =	shalt  }
0x69: {  	_ =	shalt  }
0x6a: {  	_ =	shalt  }
0x6b: {  	_ =	shalt  }
0x6c: {  	_ =	shalt  }
0x6d: {  	_ =	shalt  }
0x6e: {  	_ =	shalt  }
0x6f: {  	_ =	shalt  }
0x70: {  	_ =	shalt  }
0x71: {  	_ =	shalt  }
0x72: {  	_ =	shalt  }
0x73: {  	_ =	shalt  }
0x74: {  	_ =	shalt  }
0x75: {  	_ =	shalt  }
0x76: {  	_ =	shalt  }
0x77: {  	_ =	shalt  }
0x78: {  	_ =	shalt  }
0x79: {  	_ =	shalt  }
0x7a: {  	_ =	shalt  }
0x7b: {  	_ =	shalt  }
0x7c: {  	_ =	shalt  }
0x7d: {  	_ =	shalt  }
0x7e: {  	_ =	shalt  }
0x7f: {  	_ =	shalt  }
0x80: {  	_ =	shalt  }
0x81: {  	_ =	shalt  }
0x82: {  	_ =	shalt  }
0x83: {  	_ =	shalt  }
0x84: {  	_ =	shalt  }
0x85: {  	_ =	shalt  }
0x86: {  	_ =	shalt  }
0x87: {  	_ =	shalt  }
.Lfunc_end0:
.L_simem_size_0:
called_computation.1_lowered:
.L_overlay_start_0:
0x88: {  	s2 =	sld [smem:$0x3FD9]  }
0x89: {  	s3 =	sld [smem:$0x3FFE];
	_ =	sdelay $0x1  }
0x8a: {  	s1 =	srdreg.scid  }
0x8b: {  	s0 =	sand.u32 $0x1, s1  }
0x8c: {  	s16 =	sshll.u32 s0, $0xA;
	s2 =	sadd.s32 s3, s2  }
0x8d: {  	s2 =	sadd.s32 s2, s16  }
0x8e: {  	[smem:$0x3FBE] =	sst s2  }
0x8f: {  	_ = 	snop  }
0x90: {  	(tm) =	ssettm $0x1  }
0x91: {  	s17 =	sld [smem:$0x3FFB];
	_ =	sdelay $0x3  }
0x92: {  	_ =	strace s17  }
0x93: {  	s2 =	sld [smem:$0x3FFC];
	_ =	sdelay $0x3  }
0x94: {  	_ =	strace s2  }
0x95: {  	s2 =	sld [smem:$0x3FFD];
	_ =	sdelay $0x3  }
0x96: {  	_ =	strace s2  }
0x97: {  	_ =	strace $0x8FFFFFFF  }
0x98: {  	s18 =	sld [smem:$0x3FDB];
	_ =	sdelay $0x1  }
0x99: {  	s19 =	simm.s32 $_scs_section_size  }
0x9a: {  	s4 =	simm.s32 $_size__tile_overlayer_lowered;
	s5 =	simm.s32 $_tile_overlayer_lowered  }
0x9b: {  	s22 =	simm.s32 $0x1BFF;
	s21 =	sshll.u32 s5, $0x1;
	s2 =	sadd.s32 s19, s18  }
0x9c: {  	s6 =	simm.s32 $0x0;
	s20 =	sshll.u32 s4, $0x1;
	s4 =	sadd.s32 s21, s2  }
0x9d: {  	[timem:s6], [sflag:s22] =	dma.local [hbm:s4], s20  }
0x9e: {  	_ =	swait.ge [sflag:s22], s20  }
0x9f: {  	s3 =	ssub.s32 $0x0, s20;
	[sflag:s22] =	ssyncset.done $0x0  }
0xa0: {  	[sflag:s22] =	ssyncadd.s32 s3;
	_ =	sdelay $0x1  }
0xa1: {  	s23 =	simm.s32 $0x1B8B  }
0xa2: {  	_ =	swait.ge [sflag:s23], $0x1  }
0xa3: {  	[sflag:s23] =	ssyncset.done $0x0  }
0xa4: {  	s25 =	simm.s32 $0x1B8E;
	s24 =	sld [smem:$0x3FFE];
	[sflag:s23] =	ssyncadd.s32 $0xFFFFFFFF  }
0xa5: {  	s26 =	simm.s32 $execute0_lowered;
	[smem:$0x3FD2] =	sst s25  }
0xa6: {  	s4 =	sshll.u32 s26, $0x1;
	_ =	strace $0x80000049;
	[dreg:$0x1] =	wrdreg $0xFFFFFFFF  }
0xa7: {  	s28 =	simm.s32 $_size_execute0_lowered;
	s2 =	sadd.s32 s2, s4;
	[dreg:$0x0] =	wrdreg $0x0  }
0xa8: {  	s4 =	sshll.u32 s28, $0x1;
	[dreg:$0x2] =	wrdreg s2  }
0xa9: {  	[dreg:$0x3] =	wrdreg s4  }
0xaa: {  	[dreg:$0x4] =	wrdreg $0xC0  }
0xab: {  	_ =	task [dreg:s6], $0x5FFFF  }
0xac: {  	[dreg:$0x1] =	wrdreg $0xFFFFFFFF  }
0xad: {  	[dreg:$0x0] =	wrdreg $0x60  }
0xae: {  	[dreg:$0x2] =	wrdreg s24  }
0xaf: {  	[dreg:$0x3] =	wrdreg $0x87A00  }
0xb0: {  	[dreg:$0x4] =	wrdreg $0x9  }
0xb1: {  	_ =	task.clear_ibuf [dreg:s6], $0x5FFFF;
	_ =	strace $0x90000049  }
0xb2: {  	s29 =	simm.s32 $0x9;
	_ =	strace $0x8000004B  }
0xb3: {  	_ =	swait.ge [sflag:s29], $0x1  }
0xb4: {  	[sflag:s29] =	ssyncadd.s32 $0xFFFFFFFF  }
0xb5: {  	_ =	strace $0x9000004B  }
0xb6: {  	_ =	sfence  }
0xb7: {  	s30 =	sld [smem:$0x0];
	_ =	sdelay $0x2  }
0xb8: {  	s31 =	sshll.u32 s1, $0xD;
	s1 =	sshrl.u32 s1, $0x2  }
0xb9: {  	s3 =	sand.u32 $0x4000, s31;
	s1 =	sadd.s32 s1, s30  }
0xba: {  	s0 =	sor.u32 s3, s0;
	s1 =	sshll.u32 s1, $0x11  }
0xbb: {  	s0 =	sor.u32 s1, s0  }
0xbc: {  	s0 =	sadd.s32 $0x8F2B, s0  }
0xbd: {  	[sflag:s0] =	ssyncadd.remote.s32 $0x1  }
0xbe: {  	_ =	sfence.sel $0xFFFF  }
0xbf: {  	[dreg:$0x0] =	wrdreg $0xFFFFFFFF;
	(pc) =	sbr.abs _section_cstart, $3  }
0xc0: {  	[dreg:$0x1] =	wrdreg $0xFFFFFFFF  }
0xc1: {  	_ =	task.clear_ibuf [dreg:s6], $0x2FFFF;
	_ =	strace $0x9FFFFFFF  }
0xc2: {  	(tm) =	ssettm $0x7FFFFFFF  }
0xc3: {  	_ =	shalt  }
tec
execute0_lowered:
.L_overlay_start_1:
0x0: {  	(tag) =	ssettag $0x1  }
0x1: {  	s2 =	rddreg [dreg:$0x0]  }
0x2: {  	s3 =	rddreg [dreg:$0x1]  }
0x3: {  	s0 =	rddreg [dreg:$0x2]  }
0x4: {  	s1 =	stileid.u32;
	s5 =	srdreg.scid;
	s4 =	simm.s32 $0x0  }
0x5: {  	s15 =	simm.s32 $0xA0;
	s16 =	simm.s32 $0x2DA0;
	s17 =	simm.s32 $0x1  }
0x6: {  	s18 =	simm.s32 $0x2;
	s19 =	simm.s32 $0x5AA0;
	s20 =	simm.s32 $0x0  }
0x7: {  	s7 =	smul.u32 $0x16800, s1;
	s8 =	sand.u32 $0x1, s5;
	[smem:$0x7FF] =	sst s4  }
0x8: {  	s5 =	sadd.s32 $0x36200, s2;
	s6 =	sadd.s32 $0x2C000, s2;
	s29 =	sshll.u32 s1, $0x1  }
0x9: {  	v0 =	vimm.s32 $0xFEDCBA98;
	s30 =	sshll.u32 s1, $0x6;
	s9 =	smul.u32 $0x168000, s8;
	_ =	strace $0x8000004A  }
0xa: {  	v1 =	vimm.s32 $0x76543210;
	v0 =	vunpack.c.l.s4.s8 v0;
	s10 =	ssub.s32 $0x2, s8;
	s31 =	sor.u32 s8, s29;
	s8 =	sor.u32 $0x1C03, s30  }
0xb: {  	v1 =	vunpack.c.l.s4.s8 v1;
	s11 =	sshrl.u32 s7, $0x3;
	s12 =	sshrl.u32 s10, $0x1;
	s14 =	sadd.s32 s7, s3  }
0xc: {  	v0 =	vunpack.c.0.s8.s32 v0;
	s9 =	sadd.s32 s7, s9;
	s11 =	sadd.s32 s11, s2;
	s12 =	ssub.s32 s10, s12  }
0xd: {  	v1 =	vunpack.c.0.s8.s32 v1;
	s9 =	sshrl.u32 s9, $0x3;
	s7 =	sadd.s32 $0x40400, s11;
	s11 =	smax.u32 s12, $0x1  }
0xe: {  	s12 =	sshrl.u32 s14, $0x3;
	s14 =	simm.s32 $0x50;
	v0 =	vand.u32 $0xF, v0;
	s13 =	sadd.s32 s9, s2  }
0xf: {  	vm0 =	vmxor vm0, vm0;
	vm1 =	vmmov $0xff;
	s9 =	smul.u32 $0x2850, s31;
	v0 =	vcombine.low v0, v1;
	s10 =	sadd.s32 $0x6D400, s13;
	s13 =	simm.s32 $0x3  }
.LBB2_1:
0x10: {  	[spmem:s12], [sflag:s8] =	dma.local [hbm:s7], $0x2D00  }
0x11: {  	_ =	swait.ge [sflag:s13], $0x2D00  }
0x12: {  	[sflag:s13] =	ssyncset.done $0x0  }
0x13: {  	[sflag:s13] =	ssyncadd.s32 $0xFFFFD300  }
0x14: {  	s21 =	simm.s32 $0x0;
	[bflag:$0x0] =	sbarrier.arrive $0xFFFF  }
.LBB2_2:
0x15: {  	s22 =	smul.u32 $0x50, s21;
	_ =	sdelay $0x1  }
0x16: {  	s22 =	sadd.s32 s9, s22  }
0x17: {  	s23 =	sshrl.u32 s22, $0x3  }
0x18: {  	s24 =	sadd.s32 s5, s23  }
0x19: {  	[tilespmem:s4], [sflag:$0x3] =	stream.linear.gather [hbm4b:s24+s4], $0x50, $0x38;
	[tilespmem:$0x1EFA0] =	vst v63  }
0x1a: {  	_ =	swait.ge [sflag:s13], $0x50  }
0x1b: {  	[sflag:s13] =	ssyncset.done $0x0  }
0x1c: {  	s23 =	sadd.s32 s6, s23;
	[sflag:s13] =	ssyncadd.s32 $0xFFFFFFB0  }
0x1d: {  	[tilespmem:s14], [sflag:$0x3] =	stream.linear.gather [hbm4b:s23+s4], $0x50, $0x38;
	[tilespmem:$0x1EFA0] =	vst v63  }
0x1e: {  	_ =	swait.ge [sflag:s13], $0x50  }
0x1f: {  	[sflag:s13] =	ssyncset.done $0x0  }
0x20: {  	[sflag:s13] =	ssyncadd.s32 $0xFFFFFFB0  }
0x21: {  	v1 =	vld [tilespmem:$0x0]  }
0x22: {  	v2 =	vld [tilespmem:$0x50]  }
0x23: {  	v3 =	vld [tilespmem:$0x10]  }
0x24: {  	v4 =	vld [tilespmem:$0x60]  }
0x25: {  	v5 =	vld [tilespmem:$0x20]  }
0x26: {  	v6 =	vld [tilespmem:$0x70]  }
0x27: {  	vm2 =	vmmov vm0;
	p0 =	slt.u32 s22, $0x4E200;
	s29 =	sadd.s32 $0x10, s22;
	v7 =	vld [tilespmem:$0x30]  }
0x28: {  	vm4 =	vmmov vm0;
	s30 =	sadd.s32 $0x20, s22;
	vm2 =	vmneg @p0 vm2;
	p0 =	slt.u32 s29, $0x4E200;
	v8 =	vld [tilespmem:$0x80]  }
0x29: {  	vm5 =	vmmov vm0;
	vm4 =	vmneg @p0 vm4;
	p0 =	slt.u32 s30, $0x4E200;
	v9 =	vld [tilespmem:$0x40]  }
0x2a: {  	vm5 =	vmneg @p0 vm5;
	vm3 =	veq.s32 v1, v2;
	v2 =	vld [tilespmem:$0x90]  }
0x2b: {  	vm15 =	veq.s32 v5, v6;
	vm2 =	vmand vm2, vm3;
	vm3 =	veq.s32 v3, v4  }
0x2c: {  	s31 =	sadd.s32 $0x30, s22;
	vm3 =	vmand vm4, vm3;
	v1 =	vsel vm2, $0x2710, v1;
	vm2 =	vmand vm5, vm15  }
0x2d: {  	s22 =	sadd.s32 $0x40, s22;
	p0 =	slt.u32 s31, $0x4E200;
	vm4 =	vmmov vm0;
	v3 =	vsel vm3, $0x2710, v3;
	vm3 =	vmmov vm0  }
0x2e: {  	[tilespmem:$0x0] =	vst v1;
	v1 =	vsel vm2, $0x2710, v5;
	vm2 =	veq.s32 v7, v8;
	vm3 =	vmneg @p0 vm3;
	p0 =	slt.u32 s22, $0x4E200  }
0x2f: {  	[tilespmem:$0x10] =	vst v3;
	vm2 =	vmand vm3, vm2;
	vm3 =	veq.s32 v9, v2;
	vm4 =	vmneg @p0 vm4  }
0x30: {  	[tilespmem:$0x20] =	vst v1;
	v2 =	vsel vm2, $0x2710, v7;
	vm2 =	vmand vm4, vm3  }
0x31: {  	[tilespmem:$0x30] =	vst v2;
	v1 =	vsel vm2, $0x2710, v9  }
0x32: {  	[tilespmem:$0x40] =	vst v1  }
0x33: {  	[tilespmem:s15], [sflag:$0x1] =	stream.indirect.gather [hbm4b:s2+s14], $0x90, s4, s14, $0xb8;
	[tilespmem:$0x1EFA0] =	vst v63  }
0x34: {  	_ = 	snop  }
0x35: {  	[tilespmem:s16], [sflag:$0x2] =	stream.indirect.gather [hbm4b:s2+s14], $0x90, s14, s14, $0xb8;
	[tilespmem:$0x1EFA0] =	vst v63  }
0x36: {  	_ =	swait.ge [sflag:s17], $0x2D00  }
0x37: {  	[sflag:s17] =	ssyncset.done $0x0  }
0x38: {  	[sflag:s17] =	ssyncadd.s32 $0xFFFFD300  }
0x39: {  	_ =	swait.ge [sflag:s18], $0x2D00  }
0x3a: {  	[sflag:s18] =	ssyncset.done $0x0  }
0x3b: {  	s25 =	simm.s32 $0x80;
	[sflag:s18] =	ssyncadd.s32 $0xFFFFD300  }
0x3c: {  	v30 =	vld [tilespmem:s25+$0x20]  }
0x3d: {  	v34 =	vld [tilespmem:s25+$0x30]  }
0x3e: {  	v1 =	vld [tilespmem:s25+$0x2D20]  }
0x3f: {  	v2 =	vld [tilespmem:s25+$0x2D30]  }
0x40: {  	v35 =	vld [tilespmem:s25+$0x40]  }
0x41: {  	v3 =	vld [tilespmem:s25+$0x2D40]  }
0x42: {  	v22 =	vld [tilespmem:s25+$0x50]  }
0x43: {  	v4 =	vld [tilespmem:s25+$0x2D50]  }
0x44: {  	v28 =	vld [tilespmem:s25+$0x60];
	v1 =	vmul.f32 v1, v30;
	v2 =	vmul.f32 v2, v34  }
0x45: {  	v5 =	vld [tilespmem:s25+$0x2D60]  }
0x46: {  	v23 =	vld [tilespmem:s25+$0x70];
	v1 =	vadd.f32 v2, v1;
	v2 =	vmul.f32 v3, v35  }
0x47: {  	v3 =	vld [tilespmem:s25+$0x2D70]  }
0x48: {  	v24 =	vld [tilespmem:s25+$0x80];
	v1 =	vadd.f32 v2, v1;
	v2 =	vmul.f32 v4, v22  }
0x49: {  	v6 =	vld [tilespmem:s25+$0x2D80]  }
0x4a: {  	v31 =	vld [tilespmem:s25+$0x90];
	v4 =	vmul.f32 v5, v28;
	v1 =	vadd.f32 v2, v1  }
0x4b: {  	v2 =	vld [tilespmem:s25+$0x2D90]  }
0x4c: {  	v3 =	vmul.f32 v3, v23;
	v5 =	vadd.f32 v4, v1;
	_ =	sdelay $0x1  }
0x4d: {  	s22 =	simm.s32 $0x110;
	v6 =	vmul.f32 v6, v24;
	v5 =	vadd.f32 v3, v5  }
0x4e: {  	v8 =	vld [tilespmem:s22+$0x2D20]  }
0x4f: {  	v9 =	vld [tilespmem:s22+$0x2D30];
	v2 =	vmul.f32 v2, v31;
	v5 =	vadd.f32 v6, v5  }
0x50: {  	v7 =	vld [tilespmem:s22+$0x40]  }
0x51: {  	v4 =	vld [tilespmem:s22+$0x20];
	v2 =	vadd.f32 v2, v5  }
0x52: {  	v3 =	vld [tilespmem:s22+$0x30]  }
0x53: {  	v12 =	vld [tilespmem:s22+$0x50];
	v6 =	vperm.xlane v2, v0  }
0x54: {  	v5 =	vld [tilespmem:s22+$0x2D40]  }
0x55: {  	v10 =	vld [tilespmem:s22+$0x2D50];
	v2 =	vadd.f32 v2, v6  }
0x56: {  	v11 =	vld [tilespmem:s22+$0x2D60]  }
0x57: {  	v13 =	vld [tilespmem:s25+$0xA0];
	v8 =	vmul.f32 v8, v4;
	v14 =	vmul.f32 v9, v3;
	v2 =	vsub.f32 $0.0e+00, v2  }
0x58: {  	v1 =	vld [tilespmem:s22+$0x60]  }
0x59: {  	v15 =	vld [tilespmem:s22+$0x2D70];
	v8 =	vadd.f32 v14, v8;
	v5 =	vmul.f32 v5, v7;
	v2 =	vmul.f32 $1.442695020e+00, v2  }
0x5a: {  	v6 =	vld [tilespmem:s22+$0x70]  }
0x5b: {  	v9 =	vld [tilespmem:s22+$0x80];
	v5 =	vadd.f32 v5, v8;
	v8 =	vmul.f32 v10, v12;
	(erf) = vpow2.f32 v2  }
0x5c: {  	v14 =	vld [tilespmem:s22+$0x2D80]  }
0x5d: {  	v18 =	vld [tilespmem:s22+$0x90];
	v10 =	vmul.f32 v11, v1;
	v5 =	vadd.f32 v8, v5  }
0x5e: {  	v16 =	vld [tilespmem:s22+$0x2D90]  }
0x5f: {  	s23 =	simm.s32 $0x1A0;
	v17 =	vld [tilespmem:s25+$0x2DA0];
	v11 =	vmul.f32 v15, v6;
	v10 =	vadd.f32 v10, v5  }
0x60: {  	v19 =	vld [tilespmem:s23+$0x2D30]  }
0x61: {  	v20 =	vld [tilespmem:s23+$0x2D40];
	v14 =	vmul.f32 v14, v9;
	v11 =	vadd.f32 v11, v10  }
0x62: {  	v8 =	vld [tilespmem:s23+$0x20]  }
0x63: {  	v16 =	vmul.f32 v16, v18;
	v15 =	vld [tilespmem:s23+$0x2D20];
	v14 =	vadd.f32 v14, v11  }
0x64: {  	v5 =	vld [tilespmem:s23+$0x30];
	v21 =	vpop (erf)  }
0x65: {  	v25 =	vld [tilespmem:s23+$0x2D50];
	v16 =	vadd.f32 v16, v14;
	v14 =	vadd.f32 $1.000000000e+00, v21  }
0x66: {  	v10 =	vld [tilespmem:s23+$0x40]  }
0x67: {  	v26 =	vld [tilespmem:s23+$0x2D60];
	v21 =	vperm.xlane v16, v0;
	(erf) = vrcp.f32 v14  }
0x68: {  	v11 =	vld [tilespmem:s23+$0x50]  }
0x69: {  	v27 =	vld [tilespmem:s22+$0xA0];
	v19 =	vmul.f32 v19, v5;
	v16 =	vadd.f32 v16, v21;
	v21 =	vmul.f32 v15, v8  }
0x6a: {  	v13 =	vsel vm1, v13, v17;
	v2 =	vld [tilespmem:s23+$0x60]  }
0x6b: {  	v29 =	vld [tilespmem:s23+$0x2D70];
	v20 =	vmul.f32 v20, v10;
	v16 =	vsub.f32 $0.0e+00, v16;
	v19 =	vadd.f32 v19, v21  }
0x6c: {  	v17 =	vperm.xlane v13, v0;
	v14 =	vld [tilespmem:s23+$0x70]  }
0x6d: {  	v32 =	vld [tilespmem:s23+$0x2D80];
	v16 =	vmul.f32 $1.442695020e+00, v16;
	v19 =	vadd.f32 v20, v19;
	v20 =	vmul.f32 v25, v11  }
0x6e: {  	v17 =	vadd.f32 v17, v13;
	v15 =	vld [tilespmem:s23+$0x80]  }
0x6f: {  	v33 =	vld [tilespmem:s23+$0x2D90];
	v26 =	vmul.f32 v26, v2;
	(erf) = vpow2.f32 v16;
	v19 =	vadd.f32 v20, v19  }
0x70: {  	v21 =	vld [tilespmem:s23+$0x90];
	v25 =	vpop (erf)  }
0x71: {  	s24 =	simm.s32 $0x230;
	v36 =	vld [tilespmem:s22+$0x2DA0];
	v19 =	vadd.f32 v26, v19;
	v26 =	vmul.f32 v29, v14;
	v25 =	vmul.f32 v25, v17  }
0x72: {  	v37 =	vld [tilespmem:s24+$0x2D20]  }
0x73: {  	v38 =	vld [tilespmem:s24+$0x2D30];
	v32 =	vmul.f32 v32, v15;
	v26 =	vadd.f32 v26, v19;
	v29 =	vmul.f32 $2.000000030e-01, v25  }
0x74: {  	v54 =	vld [tilespmem:s24+$0x2D50];
	vm2 =	vge.f32 v25, $0.0e+00  }
0x75: {  	v16 =	vld [tilespmem:s24+$0x20];
	v53 =	vmul.f32 v33, v21;
	v26 =	vadd.f32 v32, v26;
	v19 =	vsel vm2, v25, v29  }
0x76: {  	v17 =	vld [tilespmem:s24+$0x30];
	v25 =	vmul.f32 $1.442695020e+00, v19  }
0x77: {  	v20 =	vld [tilespmem:s24+$0x40];
	v41 =	vadd.f32 v53, v26  }
0x78: {  	v29 =	vld [tilespmem:s24+$0x2D40];
	v39 =	vpop (erf);
	(erf) = vpow2.f32 v25  }
0x79: {  	v40 =	vld [tilespmem:s24+$0x2D60];
	v26 =	vadd.f32 $1.000000000e+00, v39;
	v55 =	vperm.xlane v41, v0  }
0x7a: {  	v37 =	vmul.f32 v37, v16;
	v19 =	vld [tilespmem:s24+$0x50]  }
0x7b: {  	v42 =	vld [tilespmem:s24+$0x2D70];
	v38 =	vmul.f32 v38, v17;
	(erf) = vrcp.f32 v26;
	v56 =	vadd.f32 v41, v55  }
0x7c: {  	v13 =	vld [tilespmem:s24+$0x60]  }
0x7d: {  	v57 =	vld [tilespmem:s24+$0x2D80];
	v37 =	vadd.f32 v38, v37;
	v29 =	vmul.f32 v29, v20;
	v38 =	vsub.f32 $0.0e+00, v56  }
0x7e: {  	v43 =	vsel vm1, v27, v36;
	v25 =	vld [tilespmem:s24+$0x70]  }
0x7f: {  	v26 =	vld [tilespmem:s24+$0x80];
	v33 =	vmul.f32 v54, v19;
	v37 =	vadd.f32 v29, v37;
	v38 =	vmul.f32 $1.442695020e+00, v38  }
0x80: {  	s26 =	simm.s32 $0x2C0;
	v58 =	vld [tilespmem:s24+$0x2D90];
	v44 =	vperm.xlane v43, v0  }
0x81: {  	v27 =	vld [tilespmem:s26+$0x60];
	v40 =	vmul.f32 v40, v13;
	v37 =	vadd.f32 v33, v37;
	v36 =	vpop (erf);
	(erf) = vpow2.f32 v38  }
0x82: {  	v29 =	vld [tilespmem:s24+$0x90]  }
0x83: {  	v60 =	vadd.f32 v44, v43;
	v32 =	vld [tilespmem:s23+$0xA0];
	v59 =	vmul.f32 v42, v25;
	v37 =	vadd.f32 v40, v37  }
0x84: {  	v33 =	vld [tilespmem:s23+$0x2DA0];
	v39 =	vmul.f32 v57, v26;
	[tilespmem:s25+$0x5AA0] =	vst v36;
	v61 =	vmul.f32 v36, v31;
	v62 =	vpop (erf)  }
0x85: {  	v63 =	vmul.f32 v36, v30;
	v40 =	vadd.f32 v59, v37;
	v31 =	vld [tilespmem:s26+$0x20];
	v37 =	vmul.f32 v62, v60  }
0x86: {  	v34 =	vmul.f32 v36, v34;
	v38 =	vmul.f32 v36, v35;
	v30 =	vld [tilespmem:s26+$0x30];
	[tilespmem:s25+$0x5A90] =	vst v61  }
0x87: {  	s28 =	simm.s32 $0xD40;
	v39 =	vadd.f32 v39, v40;
	v40 =	vmul.f32 v58, v29;
	v35 =	vld [tilespmem:s26+$0x2D20];
	v41 =	vmul.f32 $2.000000030e-01, v37;
	[tilespmem:s25+$0x5A20] =	vst v63  }
.LBB2_3:
0x88: {  	p0 =	sne.s32 s28, $0xB3C0;
	v42 =	vld [tilespmem:s26+$0x2D30];
	vm2 =	vge.f32 v37, $0.0e+00;
	[tilespmem:s25+$0x5A30] =	vst v34;
	v34 =	vmul.f32 v36, v22;
	v28 =	vmul.f32 v36, v28;
	v22 =	vmovc v12  }
0x89: {  	v43 =	vld [tilespmem:s26+$0x40];
	v39 =	vadd.f32 v40, v39;
	v41 =	vsel vm2, v37, v41;
	[tilespmem:s25+$0x5A40] =	vst v38;
	v37 =	vmul.f32 v36, v23  }
0x8a: {  	v12 =	vmov v11;
	v38 =	vld [tilespmem:s26+$0x2D40];
	v23 =	vpop (erf);
	v40 =	vmul.f32 $1.442695020e+00, v41;
	[tilespmem:s25+$0x5A50] =	vst v34;
	v34 =	vmul.f32 v36, v24  }
0x8b: {  	v11 =	vmovc v19;
	v36 =	vperm.xlane v39, v0;
	v41 =	vadd.f32 $1.000000000e+00, v23;
	[tilespmem:s25+$0x5A60] =	vst v28;
	v19 =	vld [tilespmem:s26+$0x50];
	v23 =	vmovc v6;
	v6 =	vmov v14  }
0x8c: {  	v24 =	vmovc v9;
	v9 =	vmovc v15;
	v14 =	vmov v25;
	v44 =	vld [tilespmem:s26+$0x2D50];
	v35 =	vmul.f32 v35, v31;
	(erf) = vpow2.f32 v40;
	[tilespmem:s25+$0x5A70] =	vst v37  }
0x8d: {  	v15 =	vmovc v26;
	v37 =	vld [tilespmem:s26+$0x2D60];
	v42 =	vmul.f32 v42, v30;
	v36 =	vadd.f32 v39, v36;
	(erf) = vrcp.f32 v41;
	[tilespmem:s25+$0x5A80] =	vst v34;
	s25 =	smov.u32 s22;
	s22 =	smov.u32 s23;
	s23 =	smov.u32 s24  }
0x8e: {  	v28 =	vmovc v1;
	v1 =	vmovc v2;
	v2 =	vmov v13;
	v13 =	vmov v27;
	v39 =	vmov v29;
	s24 =	smov.u32 s26;
	v34 =	vld [tilespmem:s23+$0xA0]  }
0x8f: {  	v25 =	vld [tilespmem:s24+$0x70];
	v27 =	vadd.f32 v42, v35;
	v29 =	vmul.f32 v38, v43;
	v35 =	vsub.f32 $0.0e+00, v36;
	v38 =	vmovc v4;
	v4 =	vmovc v8  }
0x90: {  	v40 =	vmovc v3;
	v3 =	vmovc v5;
	v5 =	vmov v17;
	v8 =	vmov v16;
	v16 =	vmov v31;
	v36 =	vld [tilespmem:s24+$0x2D70]  }
0x91: {  	v17 =	vmovc v30;
	v26 =	vld [tilespmem:s24+$0x80];
	v27 =	vadd.f32 v29, v27;
	v31 =	vmul.f32 v44, v19;
	v35 =	vmul.f32 $1.442695020e+00, v35  }
0x92: {  	v41 =	vsel vm1, v32, v33;
	v30 =	vld [tilespmem:s24+$0x2D80];
	v37 =	vmul.f32 v37, v13  }
0x93: {  	v29 =	vld [tilespmem:s24+$0x90];
	v27 =	vadd.f32 v31, v27;
	(erf) = vpow2.f32 v35;
	v31 =	vperm.xlane v41, v0;
	v32 =	vmovc v34  }
0x94: {  	v42 =	vld [tilespmem:s24+$0x2D90]  }
.Ltmp0:
0x95: {  	s26 =	sshra.s32 s28, $0x2;
	v34 =	vadd.f32 v37, v27;
	v35 =	vmul.f32 v36, v25;
	v33 =	vld [tilespmem:s23+$0x2DA0];
	v37 =	vadd.f32 v31, v41;
	v36 =	vpop (erf);
	(pc) =	sbr.rel @p0 .LBB2_3-.Ltmp0, $4  }
0x96: {  	v27 =	vld [tilespmem:s26+$0x60];
	v41 =	vpop (erf);
	v44 =	vmul.f32 v36, v38;
	v45 =	vmul.f32 v36, v18;
	[tilespmem:s25+$0x5AA0] =	vst v36;
	v18 =	vmov v21  }
0x97: {  	v21 =	vmovc v39;
	v31 =	vld [tilespmem:s26+$0x20];
	v46 =	vadd.f32 v35, v34;
	v47 =	vmul.f32 v30, v26;
	v37 =	vmul.f32 v41, v37  }
0x98: {  	v38 =	vmul.f32 v36, v7;
	v7 =	vmovc v10;
	v10 =	vmov v20;
	v34 =	vmul.f32 v36, v40;
	v30 =	vld [tilespmem:s26+$0x30];
	[tilespmem:s25+$0x5A90] =	vst v45  }
0x99: {  	s28 =	sadd.s32 $0x240, s28;
	v20 =	vmovc v43;
	v35 =	vld [tilespmem:s26+$0x2D20];
	v39 =	vadd.f32 v47, v46;
	v40 =	vmul.f32 v42, v29;
	v41 =	vmul.f32 $2.000000030e-01, v37;
	[tilespmem:s25+$0x5A20] =	vst v44  }
0x9a: {  	vm2 =	vge.f32 v37, $0.0e+00  }
0x9b: {  	v42 =	vld [tilespmem:s26+$0x2D30];
	[tilespmem:s25+$0x5A30] =	vst v34;
	v22 =	vmul.f32 v36, v22;
	v39 =	vadd.f32 v40, v39;
	v37 =	vsel vm2, v37, v41  }
0x9c: {  	v28 =	vmul.f32 v36, v28;
	v34 =	vld [tilespmem:s26+$0x40];
	[tilespmem:s25+$0x5A40] =	vst v38;
	v49 =	vpop (erf);
	v37 =	vmul.f32 $1.442695020e+00, v37  }
0x9d: {  	v38 =	vld [tilespmem:s26+$0x2D40];
	[tilespmem:s25+$0x5A50] =	vst v22;
	v50 =	vperm.xlane v39, v0;
	v51 =	vadd.f32 $1.000000000e+00, v49  }
0x9e: {  	v23 =	vmul.f32 v36, v23;
	v22 =	vld [tilespmem:s26+$0x50];
	[tilespmem:s25+$0x5A60] =	vst v28;
	(erf) = vpow2.f32 v37  }
0x9f: {  	v24 =	vmul.f32 v36, v24;
	v52 =	vld [tilespmem:s26+$0x2D50];
	v28 =	vadd.f32 v39, v50;
	(erf) = vrcp.f32 v51  }
0xa0: {  	v35 =	vmul.f32 v35, v31;
	[tilespmem:s25+$0x5A70] =	vst v23;
	v54 =	vmul.f32 v42, v30  }
0xa1: {  	v53 =	vld [tilespmem:s26+$0x2D60];
	[tilespmem:s25+$0x5A80] =	vst v24;
	v28 =	vsub.f32 $0.0e+00, v28  }
0xa2: {  	v23 =	vld [tilespmem:s26+$0x70];
	v35 =	vadd.f32 v54, v35;
	v55 =	vmul.f32 v38, v34  }
0xa3: {  	v56 =	vld [tilespmem:s26+$0x2D70];
	v28 =	vmul.f32 $1.442695020e+00, v28  }
0xa4: {  	v32 =	vsel vm1, v32, v33;
	v24 =	vld [tilespmem:s26+$0x80];
	v35 =	vadd.f32 v55, v35;
	v57 =	vmul.f32 v52, v22  }
0xa5: {  	v59 =	vperm.xlane v32, v0;
	v58 =	vld [tilespmem:s26+$0x2D80];
	(erf) = vpow2.f32 v28  }
0xa6: {  	v33 =	vld [tilespmem:s26+$0x90];
	v37 =	vmul.f32 v53, v27;
	v35 =	vadd.f32 v57, v35  }
0xa7: {  	v60 =	vld [tilespmem:s26+$0x2D90];
	v28 =	vadd.f32 v59, v32;
	v62 =	vpop (erf)  }
0xa8: {  	v61 =	vmul.f32 v56, v23;
	v35 =	vadd.f32 v37, v35;
	v63 =	vpop (erf)  }
0xa9: {  	v28 =	vmul.f32 v63, v28  }
0xaa: {  	v40 =	vmul.f32 v58, v24;
	v35 =	vadd.f32 v61, v35  }
0xab: {  	v41 =	vmul.f32 $2.000000030e-01, v28  }
0xac: {  	v36 =	vmul.f32 v60, v33;
	v35 =	vadd.f32 v40, v35;
	vm2 =	vge.f32 v28, $0.0e+00  }
0xad: {  	v28 =	vsel vm2, v28, v41  }
0xae: {  	v35 =	vadd.f32 v36, v35;
	v42 =	vpop (erf);
	v28 =	vmul.f32 $1.442695020e+00, v28  }
0xaf: {  	v36 =	vadd.f32 $1.000000000e+00, v42  }
0xb0: {  	v44 =	vld [tilespmem:s24+$0xA0];
	v43 =	vperm.xlane v35, v0;
	(erf) = vpow2.f32 v28  }
0xb1: {  	v45 =	vld [tilespmem:s24+$0x2DA0];
	(erf) = vrcp.f32 v36  }
0xb2: {  	v35 =	vadd.f32 v35, v43;
	_ =	sdelay $0x1  }
0xb3: {  	v35 =	vsub.f32 $0.0e+00, v35;
	_ =	sdelay $0x1  }
0xb4: {  	v28 =	vsel vm1, v44, v45;
	v35 =	vmul.f32 $1.442695020e+00, v35  }
0xb5: {  	v18 =	vmul.f32 v62, v18;
	v46 =	vperm.xlane v28, v0  }
0xb6: {  	v4 =	vmul.f32 v62, v4;
	[tilespmem:s22+$0x5AA0] =	vst v62;
	(erf) = vpow2.f32 v35  }
0xb7: {  	v3 =	vmul.f32 v62, v3;
	[tilespmem:s22+$0x5A90] =	vst v18;
	v28 =	vadd.f32 v46, v28;
	v47 =	vpop (erf)  }
0xb8: {  	v7 =	vmul.f32 v62, v7;
	[tilespmem:s22+$0x5A20] =	vst v4;
	v48 =	vpop (erf)  }
0xb9: {  	v1 =	vmul.f32 v62, v1;
	[tilespmem:s22+$0x5A30] =	vst v3;
	v49 =	vmul.f32 v48, v28  }
0xba: {  	v3 =	vmul.f32 v62, v12;
	[tilespmem:s22+$0x5A40] =	vst v7  }
0xbb: {  	v6 =	vmul.f32 v62, v6;
	[tilespmem:s22+$0x5A60] =	vst v1;
	v50 =	vmul.f32 $2.000000030e-01, v49  }
0xbc: {  	[tilespmem:s22+$0x5A50] =	vst v3;
	v3 =	vmul.f32 v62, v9;
	vm2 =	vge.f32 v49, $0.0e+00  }
0xbd: {  	[tilespmem:s22+$0x5A70] =	vst v6;
	v1 =	vsel vm2, v49, v50  }
0xbe: {  	[tilespmem:s22+$0x5A80] =	vst v3;
	v1 =	vmul.f32 $1.442695020e+00, v1  }
0xbf: {  	v52 =	vld [tilespmem:s26+$0xA0];
	v51 =	vpop (erf)  }
0xc0: {  	v3 =	vadd.f32 $1.000000000e+00, v51;
	(erf) = vpow2.f32 v1;
	v1 =	vld [tilespmem:s26+$0x2DA0];
	_ =	sdelay $0x1  }
0xc1: {  	(erf) = vrcp.f32 v3;
	_ =	sdelay $0x2  }
0xc2: {  	v1 =	vsel vm1, v52, v1  }
0xc3: {  	v3 =	vperm.xlane v1, v0;
	_ =	sdelay $0x3  }
0xc4: {  	v1 =	vadd.f32 v3, v1;
	v3 =	vpop (erf)  }
0xc5: {  	v53 =	vmul.f32 v47, v21;
	v54 =	vpop (erf)  }
0xc6: {  	v55 =	vmul.f32 v47, v8;
	[tilespmem:s23+$0x5AA0] =	vst v47;
	v1 =	vmul.f32 v54, v1  }
0xc7: {  	v5 =	vmul.f32 v47, v5;
	[tilespmem:s23+$0x5A90] =	vst v53  }
0xc8: {  	v56 =	vmul.f32 v47, v10;
	[tilespmem:s23+$0x5A20] =	vst v55;
	v6 =	vmul.f32 $2.000000030e-01, v1  }
0xc9: {  	v57 =	vmul.f32 v47, v11;
	[tilespmem:s23+$0x5A30] =	vst v5;
	vm2 =	vge.f32 v1, $0.0e+00  }
0xca: {  	v2 =	vmul.f32 v47, v2;
	[tilespmem:s23+$0x5A40] =	vst v56;
	v1 =	vsel vm2, v1, v6  }
0xcb: {  	v58 =	vmul.f32 v47, v14;
	[tilespmem:s23+$0x5A50] =	vst v57;
	v1 =	vmul.f32 $1.442695020e+00, v1  }
0xcc: {  	v59 =	vmul.f32 v47, v15;
	[tilespmem:s23+$0x5A60] =	vst v2  }
0xcd: {  	[tilespmem:s23+$0x5A70] =	vst v58;
	(erf) = vpow2.f32 v1  }
0xce: {  	[tilespmem:s23+$0x5A80] =	vst v59;
	v1 =	vmul.f32 v3, v29  }
0xcf: {  	v2 =	vmul.f32 v3, v16;
	[tilespmem:s24+$0x5AA0] =	vst v3  }
0xd0: {  	[tilespmem:s24+$0x5A90] =	vst v1;
	v1 =	vmul.f32 v3, v20  }
0xd1: {  	v60 =	vmul.f32 v3, v17;
	[tilespmem:s24+$0x5A20] =	vst v2  }
0xd2: {  	v61 =	vmul.f32 v3, v13;
	[tilespmem:s24+$0x5A40] =	vst v1;
	v1 =	vmul.f32 v3, v25  }
0xd3: {  	[tilespmem:s24+$0x5A30] =	vst v60;
	v2 =	vmul.f32 v3, v19  }
0xd4: {  	[tilespmem:s24+$0x5A60] =	vst v61  }
0xd5: {  	[tilespmem:s24+$0x5A50] =	vst v2;
	v2 =	vmul.f32 v3, v26  }
0xd6: {  	[tilespmem:s24+$0x5A70] =	vst v1;
	v1 =	vpop (erf)  }
0xd7: {  	[tilespmem:s24+$0x5A80] =	vst v2;
	v2 =	vmul.f32 v1, v33  }
0xd8: {  	v3 =	vmul.f32 v1, v31;
	[tilespmem:s26+$0x5AA0] =	vst v1  }
0xd9: {  	v62 =	vmul.f32 v1, v30;
	[tilespmem:s26+$0x5A90] =	vst v2  }
0xda: {  	v63 =	vmul.f32 v1, v27;
	[tilespmem:s26+$0x5A20] =	vst v3  }
0xdb: {  	v2 =	vmul.f32 v1, v34;
	[tilespmem:s26+$0x5A30] =	vst v62  }
0xdc: {  	v3 =	vmul.f32 v1, v22;
	[tilespmem:s26+$0x5A60] =	vst v63  }
0xdd: {  	[tilespmem:s26+$0x5A40] =	vst v2;
	v2 =	vmul.f32 v1, v23  }
0xde: {  	s21 =	sadd.s32 $0x1, s21;
	[tilespmem:s26+$0x5A50] =	vst v3;
	v1 =	vmul.f32 v1, v24  }
0xdf: {  	p0 =	sne.s32 s21, $0x81;
	[tilespmem:s26+$0x5A70] =	vst v2  }
.Ltmp1:
0xe0: {  	[tilespmem:s26+$0x5A80] =	vst v1;
	(pc) =	sbr.rel @p0 .LBB2_2-.Ltmp1, $4  }
0xe1: {  	[spmem:s3] =	stream.indirect.scatter.add.f32 [tilespmem:s19], [sflag:$0x3], $0x90, s14, s14, $0xb8;
	[tilespmem:$0x1EFA0] =	vst v63  }
0xe2: {  	_ =	swait.ge [sflag:s13], $0x2D00  }
0xe3: {  	[sflag:s13] =	ssyncset.done $0x0  }
0xe4: {  	[sflag:s13] =	ssyncadd.s32 $0xFFFFD300  }
0xe5: {  	s20 =	sadd.s32 $0x1, s20  }
0xe6: {  	p0 =	sne.s32 s20, s11  }
.Ltmp2:
0xe7: {  	[bflag:$0x0] =	sbarrier.arrive $0xFFFF;
	(pc) =	sbr.rel @p0 .LBB2_1-.Ltmp2, $4  }
0xe8: {  	[hbm:s10], [sflag:s8] =	dma.local [spmem:s12], $0x2D00  }
0xe9: {  	_ =	swait.ge [sflag:s13], $0x2D00  }
0xea: {  	[sflag:s13] =	ssyncset.done $0x0  }
0xeb: {  	[sflag:s13] =	ssyncadd.s32 $0xFFFFD300  }
0xec: {  	_ =	sfence.sel $0x180000  }
0xed: {  	[bflag:$0x0] =	sbarrier.arrive $0xFFFF  }
0xee: {  	p0 =	sne.s32 s1, $0x0;
	_ =	strace $0x9000004A  }
0xef: {  	s0 =	sadd.s32 @!p0 $0x100000, s0;
	[bflag:$0x2] =	sbarrier.arrive $0xFFFF  }
0xf0: {  	[sflag:s0] =	ssyncadd.tile.s32 @!p0 $0x1;
	_ =	shalt  }
.Lfunc_end2:
_tile_overlayer_lowered:
.L_overlay_start_2:
0xf1: {  	(tag) =	ssettag $0x2  }
0xf2: {  	s0 =	rddreg [dreg:$0x0];
	s2 =	stileid.u32  }
0xf3: {  	s1 =	rddreg [dreg:$0x1];
	p0 =	sne.s32 s2, $0x0  }
0xf4: {  	s3 =	rddreg [dreg:$0x2];
	[bflag:$0x3] =	sbarrier.arrive $0xFFFF;
	s2 =	simm.s32 @!p0 $0x1C03  }
0xf5: {  	[timem:s3], [sflag:s2] =	dma.local @!p0 [hbm:s0], s1  }
0xf6: {  	s0 =	simm.s32 @!p0 $0x3  }
0xf7: {  	_ =	swait.ge @!p0 [sflag:s0], s1  }
0xf8: {  	s1 =	ssub.s32 @!p0 $0x0, s1;
	[sflag:s0] =	ssyncset.done @!p0 $0x0  }
0xf9: {  	[sflag:s0] =	ssyncadd.s32 @!p0 s1  }
0xfa: {  	[bflag:$0x3] =	sbarrier.arrive $0xFFFF  }
0xfb: {  	_ =	shalt  }

// kernel: kernel.7.cloned.1.call-start
scs
__scs_entry_jumppad:
0x0: {  	(pc) =	sbr.rel $0x88, $3  }
0x1: {  	(tag) =	ssettag $0x0;
	lr =	simm.s32 $0x1  }
0x2: {  	[smem:$0x3F97] =	sst lr;
	_ =	strace $0xD0000000  }
0x3: {  	_ = 	snop  }
0x4: {  	_ = 	snop  }
0x5: {  	_ = 	snop  }
0x6: {  	_ = 	snop  }
0x7: {  	_ = 	snop  }
__scs_overlays_trampoline_lowered:
0x8: {  	[smem:$0x3FA6] =	sst s0  }
0x9: {  	[smem:$0x3FA7] =	sst s1  }
0xa: {  	[smem:$0x3FA8] =	sst s2  }
0xb: {  	[smem:$0x3FA9] =	sst s3  }
0xc: {  	[smem:$0x3FAA] =	sst s4  }
0xd: {  	[smem:$0x3FAB] =	sst s5  }
0xe: {  	[smem:$0x3FAC] =	sst s6  }
0xf: {  	[smem:$0x3FAD] =	sst s7  }
0x10: {  	[smem:$0x3FAE] =	sst s8  }
0x11: {  	[smem:$0x3FAF] =	sst s9;
	s0 =	simm.s32 @!p0 $0x0  }
0x12: {  	s1 =	sld [smem:$0x3F95];
	s0 =	simm.s32 @p0 $0x1  }
0x13: {  	[smem:$0x3FB0] =	sst s0;
	s0 =	simm.s32 @!p1 $0x0  }
0x14: {  	s2 =	sld [smem:$0x3F94];
	s0 =	simm.s32 @p1 $0x1  }
0x15: {  	[smem:$0x3FB1] =	sst s0;
	s0 =	simm.s32 @!p2 $0x0  }
0x16: {  	s3 =	sld [smem:$0x3FDB];
	s0 =	simm.s32 @p2 $0x1  }
0x17: {  	s4 =	simm.s32 $0x1BF5;
	[smem:$0x3FB3] =	sst s0  }
0x18: {  	s0 =	sld [smem:$0x3F96];
	_ =	swait.ge [sflag:s4], $0x0  }
0x19: {  	s7 =	sld [smem:$0x3F97]  }
0x1a: {  	s8 =	sadd.s32 $0xFFFFE003, lr  }
0x1b: {  	s9 =	sadd.s32 $0xFFFFFEF7, lr;
	s5 =	simm.s32 $0xFFFFFFFF;
	p2 =	slt.u32 s8, $0xFFFFF086  }
0x1c: {  	p1 =	slt.u32 s9, $0xF7A;
	s5 =	simm.s32 @!p2 $0x0  }
0x1d: {  	s5 =	simm.s32 @p1 $0x1;
	p0 =	seq.s32 s7, s2  }
0x1e: {  	s7 =	smul.u32 @!p0 $0xF7A, s2;
	p2 =	seq.s32 @!p0 s5, $0x0  }
0x1f: {  	s9 =	smul.u32 $0xF7A, s1;
	s8 =	simm.s32 @!p0 $0x1BF5;
	p2 =	por !p2, p0  }
0x20: {  	[sflag:s8] =	ssyncset.s32 @!p0 $0xFFFFF086;
	s6 =	sadd.s32 @!p0 s3, s7;
	s7 =	simm.s32 @!p0 $0x108  }
0x21: {  	s3 =	sadd.s32 s3, s9;
	s6 =	sadd.s32 @!p0 $0x88, s6;
	s7 =	simm.s32 @p2 $0x1082  }
0x22: {  	[simem:s7], [sflag:s8] =	dma.local @!p0 [hbm:s6], $0xF7A  }
0x23: {  	s9 =	sor.u32 $0xD0000000, s2;
	s6 =	simm.s32 $0x108;
	_ =	swait.ge @!p0 [sflag:s8], $0x0  }
0x24: {  	s3 =	sadd.s32 $0x88, s3;
	s6 =	simm.s32 @!p1 $0x1082;
	[sflag:s4] =	ssyncset.s32 $0xFFFFF086  }
0x25: {  	[simem:s6], [sflag:s4] =	dma.local [hbm:s3], $0xF7A  }
0x26: {  	[smem:$0x3F97] =	sst s1;
	(tag) =	ssettag s2;
	_ =	strace s9  }
0x27: {  	s1 =	sld [smem:$0x3FA7]  }
0x28: {  	s2 =	sld [smem:$0x3FA8]  }
0x29: {  	s4 =	sld [smem:$0x3FAA]  }
0x2a: {  	p0 =	seq.s32 s5, $0x0;
	s5 =	sld [smem:$0x3FAB]  }
0x2b: {  	s6 =	sld [smem:$0x3FAC]  }
0x2c: {  	s7 =	sld [smem:$0x3FAD]  }
0x2d: {  	s3 =	simm.s32 $0x108;
	s8 =	sld [smem:$0x3FAE]  }
0x2e: {  	s3 =	simm.s32 @!p0 $0x1082;
	s9 =	sld [smem:$0x3FAF]  }
0x2f: {  	lr =	sadd.s32 s0, s3;
	s0 =	sld [smem:$0x3FA6]  }
0x30: {  	s3 =	sld [smem:$0x3FA9]  }
0x31: {  	[smem:$0x3FB2] =	sst s10  }
0x32: {  	s10 =	sld [smem:$0x3FB0];
	_ =	sdelay $0x3  }
0x33: {  	p0 =	seq.s32 s10, $0x1;
	s10 =	sld [smem:$0x3FB2];
	_ =	sdelay $0x3  }
0x34: {  	[smem:$0x3FB2] =	sst s10  }
0x35: {  	s10 =	sld [smem:$0x3FB1];
	_ =	sdelay $0x3  }
0x36: {  	p1 =	seq.s32 s10, $0x1;
	s10 =	sld [smem:$0x3FB2];
	_ =	sdelay $0x3  }
0x37: {  	[smem:$0x3FB2] =	sst s10  }
0x38: {  	s10 =	sld [smem:$0x3FB3]  }
0x39: {  	_ = 	snop;
	(pc) =	sbr.ind lr, $3  }
0x3a: {  	_ = 	snop  }
0x3b: {  	_ = 	snop  }
0x3c: {  	p2 =	seq.s32 s10, $0x1;
	s10 =	sld [smem:$0x3FB2]  }
0x3d: {  	_ =	shalt  }
0x3e: {  	_ =	shalt  }
0x3f: {  	_ =	shalt  }
0x40: {  	_ =	shalt  }
0x41: {  	_ =	shalt  }
0x42: {  	_ =	shalt  }
0x43: {  	_ =	shalt  }
0x44: {  	_ =	shalt  }
0x45: {  	_ =	shalt  }
0x46: {  	_ =	shalt  }
0x47: {  	_ =	shalt  }
0x48: {  	_ =	shalt  }
0x49: {  	_ =	shalt  }
0x4a: {  	_ =	shalt  }
0x4b: {  	_ =	shalt  }
0x4c: {  	_ =	shalt  }
0x4d: {  	_ =	shalt  }
0x4e: {  	_ =	shalt  }
0x4f: {  	_ =	shalt  }
0x50: {  	_ =	shalt  }
0x51: {  	_ =	shalt  }
0x52: {  	_ =	shalt  }
0x53: {  	_ =	shalt  }
0x54: {  	_ =	shalt  }
0x55: {  	_ =	shalt  }
0x56: {  	_ =	shalt  }
0x57: {  	_ =	shalt  }
0x58: {  	_ =	shalt  }
0x59: {  	_ =	shalt  }
0x5a: {  	_ =	shalt  }
0x5b: {  	_ =	shalt  }
0x5c: {  	_ =	shalt  }
0x5d: {  	_ =	shalt  }
0x5e: {  	_ =	shalt  }
0x5f: {  	_ =	shalt  }
0x60: {  	_ =	shalt  }
0x61: {  	_ =	shalt  }
0x62: {  	_ =	shalt  }
0x63: {  	_ =	shalt  }
0x64: {  	_ =	shalt  }
0x65: {  	_ =	shalt  }
0x66: {  	_ =	shalt  }
0x67: {  	_ =	shalt  }
0x68: {  	_ =	shalt  }
0x69: {  	_ =	shalt  }
0x6a: {  	_ =	shalt  }
0x6b: {  	_ =	shalt  }
0x6c: {  	_ =	shalt  }
0x6d: {  	_ =	shalt  }
0x6e: {  	_ =	shalt  }
0x6f: {  	_ =	shalt  }
0x70: {  	_ =	shalt  }
0x71: {  	_ =	shalt  }
0x72: {  	_ =	shalt  }
0x73: {  	_ =	shalt  }
0x74: {  	_ =	shalt  }
0x75: {  	_ =	shalt  }
0x76: {  	_ =	shalt  }
0x77: {  	_ =	shalt  }
0x78: {  	_ =	shalt  }
0x79: {  	_ =	shalt  }
0x7a: {  	_ =	shalt  }
0x7b: {  	_ =	shalt  }
0x7c: {  	_ =	shalt  }
0x7d: {  	_ =	shalt  }
0x7e: {  	_ =	shalt  }
0x7f: {  	_ =	shalt  }
0x80: {  	_ =	shalt  }
0x81: {  	_ =	shalt  }
0x82: {  	_ =	shalt  }
0x83: {  	_ =	shalt  }
0x84: {  	_ =	shalt  }
0x85: {  	_ =	shalt  }
0x86: {  	_ =	shalt  }
0x87: {  	_ =	shalt  }
.Lfunc_end0:
.L_simem_size_0:
called_computation_lowered:
.L_overlay_start_0:
0x88: {  	s2 =	sld [smem:$0x3FD9]  }
0x89: {  	s3 =	sld [smem:$0x3FFE];
	_ =	sdelay $0x1  }
0x8a: {  	s1 =	srdreg.scid  }
0x8b: {  	s0 =	sand.u32 $0x1, s1  }
0x8c: {  	s16 =	sshll.u32 s0, $0xA;
	s2 =	sadd.s32 s3, s2  }
0x8d: {  	s2 =	sadd.s32 s2, s16  }
0x8e: {  	[smem:$0x3FBE] =	sst s2  }
0x8f: {  	_ = 	snop  }
0x90: {  	(tm) =	ssettm $0x1  }
0x91: {  	s17 =	sld [smem:$0x3FFB];
	_ =	sdelay $0x3  }
0x92: {  	_ =	strace s17  }
0x93: {  	s2 =	sld [smem:$0x3FFC];
	_ =	sdelay $0x3  }
0x94: {  	_ =	strace s2  }
0x95: {  	s2 =	sld [smem:$0x3FFD];
	_ =	sdelay $0x3  }
0x96: {  	_ =	strace s2  }
0x97: {  	_ =	strace $0x8FFFFFFF  }
0x98: {  	s18 =	sld [smem:$0x3FDB];
	_ =	sdelay $0x1  }
0x99: {  	s19 =	simm.s32 $_scs_section_size  }
0x9a: {  	s4 =	simm.s32 $_size__tile_overlayer_lowered;
	s5 =	simm.s32 $_tile_overlayer_lowered  }
0x9b: {  	s22 =	simm.s32 $0x1BFF;
	s21 =	sshll.u32 s5, $0x1;
	s2 =	sadd.s32 s19, s18  }
0x9c: {  	s6 =	simm.s32 $0x0;
	s20 =	sshll.u32 s4, $0x1;
	s4 =	sadd.s32 s21, s2  }
0x9d: {  	[timem:s6], [sflag:s22] =	dma.local [hbm:s4], s20  }
0x9e: {  	_ =	swait.ge [sflag:s22], s20  }
0x9f: {  	s3 =	ssub.s32 $0x0, s20;
	[sflag:s22] =	ssyncset.done $0x0  }
0xa0: {  	[sflag:s22] =	ssyncadd.s32 s3;
	_ =	sdelay $0x1  }
0xa1: {  	s23 =	simm.s32 $0x1B8B  }
0xa2: {  	_ =	swait.ge [sflag:s23], $0x1  }
0xa3: {  	[sflag:s23] =	ssyncset.done $0x0  }
0xa4: {  	s25 =	simm.s32 $0x1B8E;
	s24 =	sld [smem:$0x3FFE];
	[sflag:s23] =	ssyncadd.s32 $0xFFFFFFFF  }
0xa5: {  	s26 =	simm.s32 $execute0_lowered;
	[smem:$0x3FD2] =	sst s25  }
0xa6: {  	s4 =	sshll.u32 s26, $0x1;
	_ =	strace $0x80000046;
	[dreg:$0x1] =	wrdreg $0xFFFFFFFF  }
0xa7: {  	s28 =	simm.s32 $_size_execute0_lowered;
	s2 =	sadd.s32 s2, s4;
	[dreg:$0x0] =	wrdreg $0x0  }
0xa8: {  	s4 =	sshll.u32 s28, $0x1;
	[dreg:$0x2] =	wrdreg s2  }
0xa9: {  	[dreg:$0x3] =	wrdreg s4  }
0xaa: {  	[dreg:$0x4] =	wrdreg $0xC0  }
0xab: {  	_ =	task [dreg:s6], $0x5FFFF  }
0xac: {  	[dreg:$0x1] =	wrdreg $0xFFFFFFFF  }
0xad: {  	[dreg:$0x0] =	wrdreg $0x60  }
0xae: {  	[dreg:$0x2] =	wrdreg s24  }
0xaf: {  	[dreg:$0x3] =	wrdreg $0x87A00  }
0xb0: {  	[dreg:$0x4] =	wrdreg $0x9  }
0xb1: {  	_ =	task.clear_ibuf [dreg:s6], $0x5FFFF;
	_ =	strace $0x90000046  }
0xb2: {  	s29 =	simm.s32 $0x9;
	_ =	strace $0x80000048  }
0xb3: {  	_ =	swait.ge [sflag:s29], $0x1  }
0xb4: {  	[sflag:s29] =	ssyncadd.s32 $0xFFFFFFFF  }
0xb5: {  	_ =	strace $0x90000048  }
0xb6: {  	_ =	sfence  }
0xb7: {  	s30 =	sld [smem:$0x0];
	_ =	sdelay $0x2  }
0xb8: {  	s31 =	sshll.u32 s1, $0xD;
	s1 =	sshrl.u32 s1, $0x2  }
0xb9: {  	s3 =	sand.u32 $0x4000, s31;
	s1 =	sadd.s32 s1, s30  }
0xba: {  	s0 =	sor.u32 s3, s0;
	s1 =	sshll.u32 s1, $0x11  }
0xbb: {  	s0 =	sor.u32 s1, s0  }
0xbc: {  	s0 =	sadd.s32 $0x8F2B, s0  }
0xbd: {  	[sflag:s0] =	ssyncadd.remote.s32 $0x1  }
0xbe: {  	_ =	sfence.sel $0xFFFF  }
0xbf: {  	[dreg:$0x0] =	wrdreg $0xFFFFFFFF;
	(pc) =	sbr.abs _section_cstart, $3  }
0xc0: {  	[dreg:$0x1] =	wrdreg $0xFFFFFFFF  }
0xc1: {  	_ =	task.clear_ibuf [dreg:s6], $0x2FFFF;
	_ =	strace $0x9FFFFFFF  }
0xc2: {  	(tm) =	ssettm $0x7FFFFFFF  }
0xc3: {  	_ =	shalt  }
tec
execute0_lowered:
.L_overlay_start_1:
0x0: {  	(tag) =	ssettag $0x1  }
0x1: {  	s2 =	rddreg [dreg:$0x0]  }
0x2: {  	s3 =	rddreg [dreg:$0x1]  }
0x3: {  	s0 =	rddreg [dreg:$0x2]  }
0x4: {  	s1 =	stileid.u32;
	s5 =	srdreg.scid;
	s4 =	simm.s32 $0x0  }
0x5: {  	s15 =	simm.s32 $0xA0;
	s16 =	simm.s32 $0x2DA0;
	s17 =	simm.s32 $0x1  }
0x6: {  	s18 =	simm.s32 $0x2;
	s19 =	simm.s32 $0x5AA0;
	s20 =	simm.s32 $0x0  }
0x7: {  	s7 =	smul.u32 $0x16800, s1;
	s8 =	sand.u32 $0x1, s5;
	[smem:$0x7FF] =	sst s4  }
0x8: {  	s5 =	sadd.s32 $0x36200, s2;
	s6 =	sadd.s32 $0x2C000, s2;
	s29 =	sshll.u32 s1, $0x1  }
0x9: {  	v0 =	vimm.s32 $0xFEDCBA98;
	s30 =	sshll.u32 s1, $0x6;
	s9 =	smul.u32 $0x168000, s8;
	_ =	strace $0x80000047  }
0xa: {  	v1 =	vimm.s32 $0x76543210;
	v0 =	vunpack.c.l.s4.s8 v0;
	s10 =	ssub.s32 $0x2, s8;
	s31 =	sor.u32 s8, s29;
	s8 =	sor.u32 $0x1C03, s30  }
0xb: {  	v1 =	vunpack.c.l.s4.s8 v1;
	s11 =	sshrl.u32 s7, $0x3;
	s12 =	sshrl.u32 s10, $0x1;
	s14 =	sadd.s32 s7, s3  }
0xc: {  	v0 =	vunpack.c.0.s8.s32 v0;
	s9 =	sadd.s32 s7, s9;
	s11 =	sadd.s32 s11, s2;
	s12 =	ssub.s32 s10, s12  }
0xd: {  	v1 =	vunpack.c.0.s8.s32 v1;
	s9 =	sshrl.u32 s9, $0x3;
	s7 =	sadd.s32 $0x40400, s11;
	s11 =	smax.u32 s12, $0x1  }
0xe: {  	s12 =	sshrl.u32 s14, $0x3;
	s14 =	simm.s32 $0x50;
	v0 =	vand.u32 $0xF, v0;
	s13 =	sadd.s32 s9, s2  }
0xf: {  	vm0 =	vmxor vm0, vm0;
	vm1 =	vmmov $0xff;
	s9 =	smul.u32 $0x2850, s31;
	v0 =	vcombine.low v0, v1;
	s10 =	sadd.s32 $0x6D400, s13;
	s13 =	simm.s32 $0x3  }
.LBB2_1:
0x10: {  	[spmem:s12], [sflag:s8] =	dma.local [hbm:s7], $0x2D00  }
0x11: {  	_ =	swait.ge [sflag:s13], $0x2D00  }
0x12: {  	[sflag:s13] =	ssyncset.done $0x0  }
0x13: {  	[sflag:s13] =	ssyncadd.s32 $0xFFFFD300  }
0x14: {  	s21 =	simm.s32 $0x0;
	[bflag:$0x0] =	sbarrier.arrive $0xFFFF  }
.LBB2_2:
0x15: {  	s22 =	smul.u32 $0x50, s21;
	_ =	sdelay $0x1  }
0x16: {  	s22 =	sadd.s32 s9, s22  }
0x17: {  	s23 =	sshrl.u32 s22, $0x3  }
0x18: {  	s24 =	sadd.s32 s5, s23  }
0x19: {  	[tilespmem:s4], [sflag:$0x3] =	stream.linear.gather [hbm4b:s24+s4], $0x50, $0x38;
	[tilespmem:$0x1EFA0] =	vst v63  }
0x1a: {  	_ =	swait.ge [sflag:s13], $0x50  }
0x1b: {  	[sflag:s13] =	ssyncset.done $0x0  }
0x1c: {  	s23 =	sadd.s32 s6, s23;
	[sflag:s13] =	ssyncadd.s32 $0xFFFFFFB0  }
0x1d: {  	[tilespmem:s14], [sflag:$0x3] =	stream.linear.gather [hbm4b:s23+s4], $0x50, $0x38;
	[tilespmem:$0x1EFA0] =	vst v63  }
0x1e: {  	_ =	swait.ge [sflag:s13], $0x50  }
0x1f: {  	[sflag:s13] =	ssyncset.done $0x0  }
0x20: {  	[sflag:s13] =	ssyncadd.s32 $0xFFFFFFB0  }
0x21: {  	v1 =	vld [tilespmem:$0x0]  }
0x22: {  	v2 =	vld [tilespmem:$0x50]  }
0x23: {  	v3 =	vld [tilespmem:$0x10]  }
0x24: {  	v4 =	vld [tilespmem:$0x60]  }
0x25: {  	v5 =	vld [tilespmem:$0x20]  }
0x26: {  	v6 =	vld [tilespmem:$0x70]  }
0x27: {  	vm2 =	vmmov vm0;
	p0 =	slt.u32 s22, $0x4E200;
	s29 =	sadd.s32 $0x10, s22;
	v7 =	vld [tilespmem:$0x30]  }
0x28: {  	vm4 =	vmmov vm0;
	s30 =	sadd.s32 $0x20, s22;
	vm2 =	vmneg @p0 vm2;
	p0 =	slt.u32 s29, $0x4E200;
	v8 =	vld [tilespmem:$0x80]  }
0x29: {  	vm5 =	vmmov vm0;
	vm4 =	vmneg @p0 vm4;
	p0 =	slt.u32 s30, $0x4E200;
	v9 =	vld [tilespmem:$0x40]  }
0x2a: {  	vm5 =	vmneg @p0 vm5;
	vm3 =	veq.s32 v1, v2;
	v2 =	vld [tilespmem:$0x90]  }
0x2b: {  	vm15 =	veq.s32 v5, v6;
	vm2 =	vmand vm2, vm3;
	vm3 =	veq.s32 v3, v4  }
0x2c: {  	s31 =	sadd.s32 $0x30, s22;
	vm3 =	vmand vm4, vm3;
	v1 =	vsel vm2, $0x2710, v1;
	vm2 =	vmand vm5, vm15  }
0x2d: {  	s22 =	sadd.s32 $0x40, s22;
	p0 =	slt.u32 s31, $0x4E200;
	vm4 =	vmmov vm0;
	v3 =	vsel vm3, $0x2710, v3;
	vm3 =	vmmov vm0  }
0x2e: {  	[tilespmem:$0x0] =	vst v1;
	v1 =	vsel vm2, $0x2710, v5;
	vm2 =	veq.s32 v7, v8;
	vm3 =	vmneg @p0 vm3;
	p0 =	slt.u32 s22, $0x4E200  }
0x2f: {  	[tilespmem:$0x10] =	vst v3;
	vm2 =	vmand vm3, vm2;
	vm3 =	veq.s32 v9, v2;
	vm4 =	vmneg @p0 vm4  }
0x30: {  	[tilespmem:$0x20] =	vst v1;
	v2 =	vsel vm2, $0x2710, v7;
	vm2 =	vmand vm4, vm3  }
0x31: {  	[tilespmem:$0x30] =	vst v2;
	v1 =	vsel vm2, $0x2710, v9  }
0x32: {  	[tilespmem:$0x40] =	vst v1  }
0x33: {  	[tilespmem:s15], [sflag:$0x1] =	stream.indirect.gather [hbm4b:s2+s14], $0x90, s4, s14, $0xb8;
	[tilespmem:$0x1EFA0] =	vst v63  }
0x34: {  	_ = 	snop  }
0x35: {  	[tilespmem:s16], [sflag:$0x2] =	stream.indirect.gather [hbm4b:s2+s14], $0x90, s14, s14, $0xb8;
	[tilespmem:$0x1EFA0] =	vst v63  }
0x36: {  	_ =	swait.ge [sflag:s17], $0x2D00  }
0x37: {  	[sflag:s17] =	ssyncset.done $0x0  }
0x38: {  	[sflag:s17] =	ssyncadd.s32 $0xFFFFD300  }
0x39: {  	_ =	swait.ge [sflag:s18], $0x2D00  }
0x3a: {  	[sflag:s18] =	ssyncset.done $0x0  }
0x3b: {  	s25 =	simm.s32 $0x80;
	[sflag:s18] =	ssyncadd.s32 $0xFFFFD300  }
0x3c: {  	v30 =	vld [tilespmem:s25+$0x20]  }
0x3d: {  	v34 =	vld [tilespmem:s25+$0x30]  }
0x3e: {  	v1 =	vld [tilespmem:s25+$0x2D20]  }
0x3f: {  	v2 =	vld [tilespmem:s25+$0x2D30]  }
0x40: {  	v35 =	vld [tilespmem:s25+$0x40]  }
0x41: {  	v3 =	vld [tilespmem:s25+$0x2D40]  }
0x42: {  	v22 =	vld [tilespmem:s25+$0x50]  }
0x43: {  	v4 =	vld [tilespmem:s25+$0x2D50]  }
0x44: {  	v28 =	vld [tilespmem:s25+$0x60];
	v1 =	vmul.f32 v1, v30;
	v2 =	vmul.f32 v2, v34  }
0x45: {  	v5 =	vld [tilespmem:s25+$0x2D60]  }
0x46: {  	v23 =	vld [tilespmem:s25+$0x70];
	v1 =	vadd.f32 v2, v1;
	v2 =	vmul.f32 v3, v35  }
0x47: {  	v3 =	vld [tilespmem:s25+$0x2D70]  }
0x48: {  	v24 =	vld [tilespmem:s25+$0x80];
	v1 =	vadd.f32 v2, v1;
	v2 =	vmul.f32 v4, v22  }
0x49: {  	v6 =	vld [tilespmem:s25+$0x2D80]  }
0x4a: {  	v31 =	vld [tilespmem:s25+$0x90];
	v4 =	vmul.f32 v5, v28;
	v1 =	vadd.f32 v2, v1  }
0x4b: {  	v2 =	vld [tilespmem:s25+$0x2D90]  }
0x4c: {  	v3 =	vmul.f32 v3, v23;
	v5 =	vadd.f32 v4, v1;
	_ =	sdelay $0x1  }
0x4d: {  	s22 =	simm.s32 $0x110;
	v6 =	vmul.f32 v6, v24;
	v5 =	vadd.f32 v3, v5  }
0x4e: {  	v8 =	vld [tilespmem:s22+$0x2D20]  }
0x4f: {  	v9 =	vld [tilespmem:s22+$0x2D30];
	v2 =	vmul.f32 v2, v31;
	v5 =	vadd.f32 v6, v5  }
0x50: {  	v7 =	vld [tilespmem:s22+$0x40]  }
0x51: {  	v4 =	vld [tilespmem:s22+$0x20];
	v2 =	vadd.f32 v2, v5  }
0x52: {  	v3 =	vld [tilespmem:s22+$0x30]  }
0x53: {  	v12 =	vld [tilespmem:s22+$0x50];
	v6 =	vperm.xlane v2, v0  }
0x54: {  	v5 =	vld [tilespmem:s22+$0x2D40]  }
0x55: {  	v10 =	vld [tilespmem:s22+$0x2D50];
	v2 =	vadd.f32 v2, v6  }
0x56: {  	v11 =	vld [tilespmem:s22+$0x2D60]  }
0x57: {  	v13 =	vld [tilespmem:s25+$0xA0];
	v8 =	vmul.f32 v8, v4;
	v14 =	vmul.f32 v9, v3;
	v2 =	vsub.f32 $0.0e+00, v2  }
0x58: {  	v1 =	vld [tilespmem:s22+$0x60]  }
0x59: {  	v15 =	vld [tilespmem:s22+$0x2D70];
	v8 =	vadd.f32 v14, v8;
	v5 =	vmul.f32 v5, v7;
	v2 =	vmul.f32 $1.442695020e+00, v2  }
0x5a: {  	v6 =	vld [tilespmem:s22+$0x70]  }
0x5b: {  	v9 =	vld [tilespmem:s22+$0x80];
	v5 =	vadd.f32 v5, v8;
	v8 =	vmul.f32 v10, v12;
	(erf) = vpow2.f32 v2  }
0x5c: {  	v14 =	vld [tilespmem:s22+$0x2D80]  }
0x5d: {  	v18 =	vld [tilespmem:s22+$0x90];
	v10 =	vmul.f32 v11, v1;
	v5 =	vadd.f32 v8, v5  }
0x5e: {  	v16 =	vld [tilespmem:s22+$0x2D90]  }
0x5f: {  	s23 =	simm.s32 $0x1A0;
	v17 =	vld [tilespmem:s25+$0x2DA0];
	v11 =	vmul.f32 v15, v6;
	v10 =	vadd.f32 v10, v5  }
0x60: {  	v19 =	vld [tilespmem:s23+$0x2D30]  }
0x61: {  	v20 =	vld [tilespmem:s23+$0x2D40];
	v14 =	vmul.f32 v14, v9;
	v11 =	vadd.f32 v11, v10  }
0x62: {  	v8 =	vld [tilespmem:s23+$0x20]  }
0x63: {  	v16 =	vmul.f32 v16, v18;
	v15 =	vld [tilespmem:s23+$0x2D20];
	v14 =	vadd.f32 v14, v11  }
0x64: {  	v5 =	vld [tilespmem:s23+$0x30];
	v21 =	vpop (erf)  }
0x65: {  	v25 =	vld [tilespmem:s23+$0x2D50];
	v16 =	vadd.f32 v16, v14;
	v14 =	vadd.f32 $1.000000000e+00, v21  }
0x66: {  	v10 =	vld [tilespmem:s23+$0x40]  }
0x67: {  	v26 =	vld [tilespmem:s23+$0x2D60];
	v21 =	vperm.xlane v16, v0;
	(erf) = vrcp.f32 v14  }
0x68: {  	v11 =	vld [tilespmem:s23+$0x50]  }
0x69: {  	v27 =	vld [tilespmem:s22+$0xA0];
	v19 =	vmul.f32 v19, v5;
	v16 =	vadd.f32 v16, v21;
	v21 =	vmul.f32 v15, v8  }
0x6a: {  	v13 =	vsel vm1, v13, v17;
	v2 =	vld [tilespmem:s23+$0x60]  }
0x6b: {  	v29 =	vld [tilespmem:s23+$0x2D70];
	v20 =	vmul.f32 v20, v10;
	v16 =	vsub.f32 $0.0e+00, v16;
	v19 =	vadd.f32 v19, v21  }
0x6c: {  	v17 =	vperm.xlane v13, v0;
	v14 =	vld [tilespmem:s23+$0x70]  }
0x6d: {  	v32 =	vld [tilespmem:s23+$0x2D80];
	v16 =	vmul.f32 $1.442695020e+00, v16;
	v19 =	vadd.f32 v20, v19;
	v20 =	vmul.f32 v25, v11  }
0x6e: {  	v17 =	vadd.f32 v17, v13;
	v15 =	vld [tilespmem:s23+$0x80]  }
0x6f: {  	v33 =	vld [tilespmem:s23+$0x2D90];
	v26 =	vmul.f32 v26, v2;
	(erf) = vpow2.f32 v16;
	v19 =	vadd.f32 v20, v19  }
0x70: {  	v21 =	vld [tilespmem:s23+$0x90];
	v25 =	vpop (erf)  }
0x71: {  	s24 =	simm.s32 $0x230;
	v36 =	vld [tilespmem:s22+$0x2DA0];
	v19 =	vadd.f32 v26, v19;
	v26 =	vmul.f32 v29, v14;
	v25 =	vmul.f32 v25, v17  }
0x72: {  	v37 =	vld [tilespmem:s24+$0x2D20]  }
0x73: {  	v38 =	vld [tilespmem:s24+$0x2D30];
	v32 =	vmul.f32 v32, v15;
	v26 =	vadd.f32 v26, v19;
	v29 =	vmul.f32 $2.000000030e-01, v25  }
0x74: {  	v54 =	vld [tilespmem:s24+$0x2D50];
	vm2 =	vge.f32 v25, $0.0e+00  }
0x75: {  	v16 =	vld [tilespmem:s24+$0x20];
	v53 =	vmul.f32 v33, v21;
	v26 =	vadd.f32 v32, v26;
	v19 =	vsel vm2, v25, v29  }
0x76: {  	v17 =	vld [tilespmem:s24+$0x30];
	v25 =	vmul.f32 $1.442695020e+00, v19  }
0x77: {  	v20 =	vld [tilespmem:s24+$0x40];
	v41 =	vadd.f32 v53, v26  }
0x78: {  	v29 =	vld [tilespmem:s24+$0x2D40];
	v39 =	vpop (erf);
	(erf) = vpow2.f32 v25  }
0x79: {  	v40 =	vld [tilespmem:s24+$0x2D60];
	v26 =	vadd.f32 $1.000000000e+00, v39;
	v55 =	vperm.xlane v41, v0  }
0x7a: {  	v37 =	vmul.f32 v37, v16;
	v19 =	vld [tilespmem:s24+$0x50]  }
0x7b: {  	v42 =	vld [tilespmem:s24+$0x2D70];
	v38 =	vmul.f32 v38, v17;
	(erf) = vrcp.f32 v26;
	v56 =	vadd.f32 v41, v55  }
0x7c: {  	v13 =	vld [tilespmem:s24+$0x60]  }
0x7d: {  	v57 =	vld [tilespmem:s24+$0x2D80];
	v37 =	vadd.f32 v38, v37;
	v29 =	vmul.f32 v29, v20;
	v38 =	vsub.f32 $0.0e+00, v56  }
0x7e: {  	v43 =	vsel vm1, v27, v36;
	v25 =	vld [tilespmem:s24+$0x70]  }
0x7f: {  	v26 =	vld [tilespmem:s24+$0x80];
	v33 =	vmul.f32 v54, v19;
	v37 =	vadd.f32 v29, v37;
	v38 =	vmul.f32 $1.442695020e+00, v38  }
0x80: {  	s26 =	simm.s32 $0x2C0;
	v58 =	vld [tilespmem:s24+$0x2D90];
	v44 =	vperm.xlane v43, v0  }
0x81: {  	v27 =	vld [tilespmem:s26+$0x60];
	v40 =	vmul.f32 v40, v13;
	v37 =	vadd.f32 v33, v37;
	v36 =	vpop (erf);
	(erf) = vpow2.f32 v38  }
0x82: {  	v29 =	vld [tilespmem:s24+$0x90]  }
0x83: {  	v60 =	vadd.f32 v44, v43;
	v32 =	vld [tilespmem:s23+$0xA0];
	v59 =	vmul.f32 v42, v25;
	v37 =	vadd.f32 v40, v37  }
0x84: {  	v33 =	vld [tilespmem:s23+$0x2DA0];
	v39 =	vmul.f32 v57, v26;
	[tilespmem:s25+$0x5AA0] =	vst v36;
	v61 =	vmul.f32 v36, v31;
	v62 =	vpop (erf)  }
0x85: {  	v63 =	vmul.f32 v36, v30;
	v40 =	vadd.f32 v59, v37;
	v31 =	vld [tilespmem:s26+$0x20];
	v37 =	vmul.f32 v62, v60  }
0x86: {  	v34 =	vmul.f32 v36, v34;
	v38 =	vmul.f32 v36, v35;
	v30 =	vld [tilespmem:s26+$0x30];
	[tilespmem:s25+$0x5A90] =	vst v61  }
0x87: {  	s28 =	simm.s32 $0xD40;
	v39 =	vadd.f32 v39, v40;
	v40 =	vmul.f32 v58, v29;
	v35 =	vld [tilespmem:s26+$0x2D20];
	v41 =	vmul.f32 $2.000000030e-01, v37;
	[tilespmem:s25+$0x5A20] =	vst v63  }
.LBB2_3:
0x88: {  	p0 =	sne.s32 s28, $0xB3C0;
	v42 =	vld [tilespmem:s26+$0x2D30];
	vm2 =	vge.f32 v37, $0.0e+00;
	[tilespmem:s25+$0x5A30] =	vst v34;
	v34 =	vmul.f32 v36, v22;
	v28 =	vmul.f32 v36, v28;
	v22 =	vmovc v12  }
0x89: {  	v43 =	vld [tilespmem:s26+$0x40];
	v39 =	vadd.f32 v40, v39;
	v41 =	vsel vm2, v37, v41;
	[tilespmem:s25+$0x5A40] =	vst v38;
	v37 =	vmul.f32 v36, v23  }
0x8a: {  	v12 =	vmov v11;
	v38 =	vld [tilespmem:s26+$0x2D40];
	v23 =	vpop (erf);
	v40 =	vmul.f32 $1.442695020e+00, v41;
	[tilespmem:s25+$0x5A50] =	vst v34;
	v34 =	vmul.f32 v36, v24  }
0x8b: {  	v11 =	vmovc v19;
	v36 =	vperm.xlane v39, v0;
	v41 =	vadd.f32 $1.000000000e+00, v23;
	[tilespmem:s25+$0x5A60] =	vst v28;
	v19 =	vld [tilespmem:s26+$0x50];
	v23 =	vmovc v6;
	v6 =	vmov v14  }
0x8c: {  	v24 =	vmovc v9;
	v9 =	vmovc v15;
	v14 =	vmov v25;
	v44 =	vld [tilespmem:s26+$0x2D50];
	v35 =	vmul.f32 v35, v31;
	(erf) = vpow2.f32 v40;
	[tilespmem:s25+$0x5A70] =	vst v37  }
0x8d: {  	v15 =	vmovc v26;
	v37 =	vld [tilespmem:s26+$0x2D60];
	v42 =	vmul.f32 v42, v30;
	v36 =	vadd.f32 v39, v36;
	(erf) = vrcp.f32 v41;
	[tilespmem:s25+$0x5A80] =	vst v34;
	s25 =	smov.u32 s22;
	s22 =	smov.u32 s23;
	s23 =	smov.u32 s24  }
0x8e: {  	v28 =	vmovc v1;
	v1 =	vmovc v2;
	v2 =	vmov v13;
	v13 =	vmov v27;
	v39 =	vmov v29;
	s24 =	smov.u32 s26;
	v34 =	vld [tilespmem:s23+$0xA0]  }
0x8f: {  	v25 =	vld [tilespmem:s24+$0x70];
	v27 =	vadd.f32 v42, v35;
	v29 =	vmul.f32 v38, v43;
	v35 =	vsub.f32 $0.0e+00, v36;
	v38 =	vmovc v4;
	v4 =	vmovc v8  }
0x90: {  	v40 =	vmovc v3;
	v3 =	vmovc v5;
	v5 =	vmov v17;
	v8 =	vmov v16;
	v16 =	vmov v31;
	v36 =	vld [tilespmem:s24+$0x2D70]  }
0x91: {  	v17 =	vmovc v30;
	v26 =	vld [tilespmem:s24+$0x80];
	v27 =	vadd.f32 v29, v27;
	v31 =	vmul.f32 v44, v19;
	v35 =	vmul.f32 $1.442695020e+00, v35  }
0x92: {  	v41 =	vsel vm1, v32, v33;
	v30 =	vld [tilespmem:s24+$0x2D80];
	v37 =	vmul.f32 v37, v13  }
0x93: {  	v29 =	vld [tilespmem:s24+$0x90];
	v27 =	vadd.f32 v31, v27;
	(erf) = vpow2.f32 v35;
	v31 =	vperm.xlane v41, v0;
	v32 =	vmovc v34  }
0x94: {  	v42 =	vld [tilespmem:s24+$0x2D90]  }
.Ltmp0:
0x95: {  	s26 =	sshra.s32 s28, $0x2;
	v34 =	vadd.f32 v37, v27;
	v35 =	vmul.f32 v36, v25;
	v33 =	vld [tilespmem:s23+$0x2DA0];
	v37 =	vadd.f32 v31, v41;
	v36 =	vpop (erf);
	(pc) =	sbr.rel @p0 .LBB2_3-.Ltmp0, $4  }
0x96: {  	v27 =	vld [tilespmem:s26+$0x60];
	v41 =	vpop (erf);
	v44 =	vmul.f32 v36, v38;
	v45 =	vmul.f32 v36, v18;
	[tilespmem:s25+$0x5AA0] =	vst v36;
	v18 =	vmov v21  }
0x97: {  	v21 =	vmovc v39;
	v31 =	vld [tilespmem:s26+$0x20];
	v46 =	vadd.f32 v35, v34;
	v47 =	vmul.f32 v30, v26;
	v37 =	vmul.f32 v41, v37  }
0x98: {  	v38 =	vmul.f32 v36, v7;
	v7 =	vmovc v10;
	v10 =	vmov v20;
	v34 =	vmul.f32 v36, v40;
	v30 =	vld [tilespmem:s26+$0x30];
	[tilespmem:s25+$0x5A90] =	vst v45  }
0x99: {  	s28 =	sadd.s32 $0x240, s28;
	v20 =	vmovc v43;
	v35 =	vld [tilespmem:s26+$0x2D20];
	v39 =	vadd.f32 v47, v46;
	v40 =	vmul.f32 v42, v29;
	v41 =	vmul.f32 $2.000000030e-01, v37;
	[tilespmem:s25+$0x5A20] =	vst v44  }
0x9a: {  	vm2 =	vge.f32 v37, $0.0e+00  }
0x9b: {  	v42 =	vld [tilespmem:s26+$0x2D30];
	[tilespmem:s25+$0x5A30] =	vst v34;
	v22 =	vmul.f32 v36, v22;
	v39 =	vadd.f32 v40, v39;
	v37 =	vsel vm2, v37, v41  }
0x9c: {  	v28 =	vmul.f32 v36, v28;
	v34 =	vld [tilespmem:s26+$0x40];
	[tilespmem:s25+$0x5A40] =	vst v38;
	v49 =	vpop (erf);
	v37 =	vmul.f32 $1.442695020e+00, v37  }
0x9d: {  	v38 =	vld [tilespmem:s26+$0x2D40];
	[tilespmem:s25+$0x5A50] =	vst v22;
	v50 =	vperm.xlane v39, v0;
	v51 =	vadd.f32 $1.000000000e+00, v49  }
0x9e: {  	v23 =	vmul.f32 v36, v23;
	v22 =	vld [tilespmem:s26+$0x50];
	[tilespmem:s25+$0x5A60] =	vst v28;
	(erf) = vpow2.f32 v37  }
0x9f: {  	v24 =	vmul.f32 v36, v24;
	v52 =	vld [tilespmem:s26+$0x2D50];
	v28 =	vadd.f32 v39, v50;
	(erf) = vrcp.f32 v51  }
0xa0: {  	v35 =	vmul.f32 v35, v31;
	[tilespmem:s25+$0x5A70] =	vst v23;
	v54 =	vmul.f32 v42, v30  }
0xa1: {  	v53 =	vld [tilespmem:s26+$0x2D60];
	[tilespmem:s25+$0x5A80] =	vst v24;
	v28 =	vsub.f32 $0.0e+00, v28  }
0xa2: {  	v23 =	vld [tilespmem:s26+$0x70];
	v35 =	vadd.f32 v54, v35;
	v55 =	vmul.f32 v38, v34  }
0xa3: {  	v56 =	vld [tilespmem:s26+$0x2D70];
	v28 =	vmul.f32 $1.442695020e+00, v28  }
0xa4: {  	v32 =	vsel vm1, v32, v33;
	v24 =	vld [tilespmem:s26+$0x80];
	v35 =	vadd.f32 v55, v35;
	v57 =	vmul.f32 v52, v22  }
0xa5: {  	v59 =	vperm.xlane v32, v0;
	v58 =	vld [tilespmem:s26+$0x2D80];
	(erf) = vpow2.f32 v28  }
0xa6: {  	v33 =	vld [tilespmem:s26+$0x90];
	v37 =	vmul.f32 v53, v27;
	v35 =	vadd.f32 v57, v35  }
0xa7: {  	v60 =	vld [tilespmem:s26+$0x2D90];
	v28 =	vadd.f32 v59, v32;
	v62 =	vpop (erf)  }
0xa8: {  	v61 =	vmul.f32 v56, v23;
	v35 =	vadd.f32 v37, v35;
	v63 =	vpop (erf)  }
0xa9: {  	v28 =	vmul.f32 v63, v28  }
0xaa: {  	v40 =	vmul.f32 v58, v24;
	v35 =	vadd.f32 v61, v35  }
0xab: {  	v41 =	vmul.f32 $2.000000030e-01, v28  }
0xac: {  	v36 =	vmul.f32 v60, v33;
	v35 =	vadd.f32 v40, v35;
	vm2 =	vge.f32 v28, $0.0e+00  }
0xad: {  	v28 =	vsel vm2, v28, v41  }
0xae: {  	v35 =	vadd.f32 v36, v35;
	v42 =	vpop (erf);
	v28 =	vmul.f32 $1.442695020e+00, v28  }
0xaf: {  	v36 =	vadd.f32 $1.000000000e+00, v42  }
0xb0: {  	v44 =	vld [tilespmem:s24+$0xA0];
	v43 =	vperm.xlane v35, v0;
	(erf) = vpow2.f32 v28  }
0xb1: {  	v45 =	vld [tilespmem:s24+$0x2DA0];
	(erf) = vrcp.f32 v36  }
0xb2: {  	v35 =	vadd.f32 v35, v43;
	_ =	sdelay $0x1  }
0xb3: {  	v35 =	vsub.f32 $0.0e+00, v35;
	_ =	sdelay $0x1  }
0xb4: {  	v28 =	vsel vm1, v44, v45;
	v35 =	vmul.f32 $1.442695020e+00, v35  }
0xb5: {  	v18 =	vmul.f32 v62, v18;
	v46 =	vperm.xlane v28, v0  }
0xb6: {  	v4 =	vmul.f32 v62, v4;
	[tilespmem:s22+$0x5AA0] =	vst v62;
	(erf) = vpow2.f32 v35  }
0xb7: {  	v3 =	vmul.f32 v62, v3;
	[tilespmem:s22+$0x5A90] =	vst v18;
	v28 =	vadd.f32 v46, v28;
	v47 =	vpop (erf)  }
0xb8: {  	v7 =	vmul.f32 v62, v7;
	[tilespmem:s22+$0x5A20] =	vst v4;
	v48 =	vpop (erf)  }
0xb9: {  	v1 =	vmul.f32 v62, v1;
	[tilespmem:s22+$0x5A30] =	vst v3;
	v49 =	vmul.f32 v48, v28  }
0xba: {  	v3 =	vmul.f32 v62, v12;
	[tilespmem:s22+$0x5A40] =	vst v7  }
0xbb: {  	v6 =	vmul.f32 v62, v6;
	[tilespmem:s22+$0x5A60] =	vst v1;
	v50 =	vmul.f32 $2.000000030e-01, v49  }
0xbc: {  	[tilespmem:s22+$0x5A50] =	vst v3;
	v3 =	vmul.f32 v62, v9;
	vm2 =	vge.f32 v49, $0.0e+00  }
0xbd: {  	[tilespmem:s22+$0x5A70] =	vst v6;
	v1 =	vsel vm2, v49, v50  }
0xbe: {  	[tilespmem:s22+$0x5A80] =	vst v3;
	v1 =	vmul.f32 $1.442695020e+00, v1  }
0xbf: {  	v52 =	vld [tilespmem:s26+$0xA0];
	v51 =	vpop (erf)  }
0xc0: {  	v3 =	vadd.f32 $1.000000000e+00, v51;
	(erf) = vpow2.f32 v1;
	v1 =	vld [tilespmem:s26+$0x2DA0];
	_ =	sdelay $0x1  }
0xc1: {  	(erf) = vrcp.f32 v3;
	_ =	sdelay $0x2  }
0xc2: {  	v1 =	vsel vm1, v52, v1  }
0xc3: {  	v3 =	vperm.xlane v1, v0;
	_ =	sdelay $0x3  }
0xc4: {  	v1 =	vadd.f32 v3, v1;
	v3 =	vpop (erf)  }
0xc5: {  	v53 =	vmul.f32 v47, v21;
	v54 =	vpop (erf)  }
0xc6: {  	v55 =	vmul.f32 v47, v8;
	[tilespmem:s23+$0x5AA0] =	vst v47;
	v1 =	vmul.f32 v54, v1  }
0xc7: {  	v5 =	vmul.f32 v47, v5;
	[tilespmem:s23+$0x5A90] =	vst v53  }
0xc8: {  	v56 =	vmul.f32 v47, v10;
	[tilespmem:s23+$0x5A20] =	vst v55;
	v6 =	vmul.f32 $2.000000030e-01, v1  }
0xc9: {  	v57 =	vmul.f32 v47, v11;
	[tilespmem:s23+$0x5A30] =	vst v5;
	vm2 =	vge.f32 v1, $0.0e+00  }
0xca: {  	v2 =	vmul.f32 v47, v2;
	[tilespmem:s23+$0x5A40] =	vst v56;
	v1 =	vsel vm2, v1, v6  }
0xcb: {  	v58 =	vmul.f32 v47, v14;
	[tilespmem:s23+$0x5A50] =	vst v57;
	v1 =	vmul.f32 $1.442695020e+00, v1  }
0xcc: {  	v59 =	vmul.f32 v47, v15;
	[tilespmem:s23+$0x5A60] =	vst v2  }
0xcd: {  	[tilespmem:s23+$0x5A70] =	vst v58;
	(erf) = vpow2.f32 v1  }
0xce: {  	[tilespmem:s23+$0x5A80] =	vst v59;
	v1 =	vmul.f32 v3, v29  }
0xcf: {  	v2 =	vmul.f32 v3, v16;
	[tilespmem:s24+$0x5AA0] =	vst v3  }
0xd0: {  	[tilespmem:s24+$0x5A90] =	vst v1;
	v1 =	vmul.f32 v3, v20  }
0xd1: {  	v60 =	vmul.f32 v3, v17;
	[tilespmem:s24+$0x5A20] =	vst v2  }
0xd2: {  	v61 =	vmul.f32 v3, v13;
	[tilespmem:s24+$0x5A40] =	vst v1;
	v1 =	vmul.f32 v3, v25  }
0xd3: {  	[tilespmem:s24+$0x5A30] =	vst v60;
	v2 =	vmul.f32 v3, v19  }
0xd4: {  	[tilespmem:s24+$0x5A60] =	vst v61  }
0xd5: {  	[tilespmem:s24+$0x5A50] =	vst v2;
	v2 =	vmul.f32 v3, v26  }
0xd6: {  	[tilespmem:s24+$0x5A70] =	vst v1;
	v1 =	vpop (erf)  }
0xd7: {  	[tilespmem:s24+$0x5A80] =	vst v2;
	v2 =	vmul.f32 v1, v33  }
0xd8: {  	v3 =	vmul.f32 v1, v31;
	[tilespmem:s26+$0x5AA0] =	vst v1  }
0xd9: {  	v62 =	vmul.f32 v1, v30;
	[tilespmem:s26+$0x5A90] =	vst v2  }
0xda: {  	v63 =	vmul.f32 v1, v27;
	[tilespmem:s26+$0x5A20] =	vst v3  }
0xdb: {  	v2 =	vmul.f32 v1, v34;
	[tilespmem:s26+$0x5A30] =	vst v62  }
0xdc: {  	v3 =	vmul.f32 v1, v22;
	[tilespmem:s26+$0x5A60] =	vst v63  }
0xdd: {  	[tilespmem:s26+$0x5A40] =	vst v2;
	v2 =	vmul.f32 v1, v23  }
0xde: {  	s21 =	sadd.s32 $0x1, s21;
	[tilespmem:s26+$0x5A50] =	vst v3;
	v1 =	vmul.f32 v1, v24  }
0xdf: {  	p0 =	sne.s32 s21, $0x81;
	[tilespmem:s26+$0x5A70] =	vst v2  }
.Ltmp1:
0xe0: {  	[tilespmem:s26+$0x5A80] =	vst v1;
	(pc) =	sbr.rel @p0 .LBB2_2-.Ltmp1, $4  }
0xe1: {  	[spmem:s3] =	stream.indirect.scatter.add.f32 [tilespmem:s19], [sflag:$0x3], $0x90, s14, s14, $0xb8;
	[tilespmem:$0x1EFA0] =	vst v63  }
0xe2: {  	_ =	swait.ge [sflag:s13], $0x2D00  }
0xe3: {  	[sflag:s13] =	ssyncset.done $0x0  }
0xe4: {  	[sflag:s13] =	ssyncadd.s32 $0xFFFFD300  }
0xe5: {  	s20 =	sadd.s32 $0x1, s20  }
0xe6: {  	p0 =	sne.s32 s20, s11  }
.Ltmp2:
0xe7: {  	[bflag:$0x0] =	sbarrier.arrive $0xFFFF;
	(pc) =	sbr.rel @p0 .LBB2_1-.Ltmp2, $4  }
0xe8: {  	[hbm:s10], [sflag:s8] =	dma.local [spmem:s12], $0x2D00  }
0xe9: {  	_ =	swait.ge [sflag:s13], $0x2D00  }
0xea: {  	[sflag:s13] =	ssyncset.done $0x0  }
0xeb: {  	[sflag:s13] =	ssyncadd.s32 $0xFFFFD300  }
0xec: {  	_ =	sfence.sel $0x180000  }
0xed: {  	[bflag:$0x0] =	sbarrier.arrive $0xFFFF  }
0xee: {  	p0 =	sne.s32 s1, $0x0;
	_ =	strace $0x90000047  }
0xef: {  	s0 =	sadd.s32 @!p0 $0x100000, s0;
	[bflag:$0x2] =	sbarrier.arrive $0xFFFF  }
0xf0: {  	[sflag:s0] =	ssyncadd.tile.s32 @!p0 $0x1;
	_ =	shalt  }
.Lfunc_end2:
_tile_overlayer_lowered:
.L_overlay_start_2:
0xf1: {  	(tag) =	ssettag $0x2  }
0xf2: {  	s0 =	rddreg [dreg:$0x0];
	s2 =	stileid.u32  }
0xf3: {  	s1 =	rddreg [dreg:$0x1];
	p0 =	sne.s32 s2, $0x0  }
0xf4: {  	s3 =	rddreg [dreg:$0x2];
	[bflag:$0x3] =	sbarrier.arrive $0xFFFF;
	s2 =	simm.s32 @!p0 $0x1C03  }
0xf5: {  	[timem:s3], [sflag:s2] =	dma.local @!p0 [hbm:s0], s1  }
0xf6: {  	s0 =	simm.s32 @!p0 $0x3  }
0xf7: {  	_ =	swait.ge @!p0 [sflag:s0], s1  }
0xf8: {  	s1 =	ssub.s32 @!p0 $0x0, s1;
	[sflag:s0] =	ssyncset.done @!p0 $0x0  }
0xf9: {  	[sflag:s0] =	ssyncadd.s32 @!p0 s1  }
0xfa: {  	[bflag:$0x3] =	sbarrier.arrive $0xFFFF  }
0xfb: {  	_ =	shalt  }

</sc_bundles>
